<compile_context>
chip_gen: v7x
topology: tpu7x:2x2x1
jax: 0.10.2.dev20260603
libtpu: 0.0.44.dev20260713+nightly
codegen_flags: <defaults>
</compile_context>

<pallas_src>
import functools
import math

import jax
import jax.numpy as jnp
from jax import lax
from jax.experimental import pallas as pl
from jax.experimental.pallas import tpu as pltpu
from jax.experimental.pallas import tpu_sc as plsc

_NUM_CORES = 2
_NUM_SUBCORES = 16
_NUM_WORKERS = _NUM_CORES * _NUM_SUBCORES
_LANES = 16
_NBUF = 8
_PRIME = 7


def _make_sc_gather(batch: int, seq: int, vocab: int, d_model: int):
  n_tokens = batch * seq
  assert n_tokens % _NUM_WORKERS == 0
  per_worker = n_tokens // _NUM_WORKERS
  assert seq % per_worker == 0
  workers_per_seq = seq // per_worker
  chunk = 8
  while per_worker % (chunk * _NBUF):
    chunk //= 2
  assert chunk > 0
  n_chunks = per_worker // chunk
  n_groups = n_chunks // _NBUF
  vecs_per_row = d_model // _LANES
  scale = jnp.float32(math.sqrt(d_model))
  last_start = n_chunks - _PRIME
  slack = _NBUF - _PRIME

  mesh = plsc.VectorSubcoreMesh(core_axis_name="c", subcore_axis_name="s")

  @functools.partial(
      pl.kernel,
      mesh=mesh,
      out_type=jax.ShapeDtypeStruct((batch, seq, d_model), jnp.float32),
      scratch_types=[
          pltpu.VMEM((per_worker,), jnp.int32),
          *([pltpu.VMEM((chunk, d_model), jnp.float32)] * _NBUF),
          *([pltpu.SemaphoreType.DMA] * (2 * _NBUF)),
      ],
  )
  def gather_kernel(tok_hbm, tab_hbm, out_hbm, idx_v, *bufs_and_sems):
    bufs = bufs_and_sems[:_NBUF]
    gsem = bufs_and_sems[_NBUF:2 * _NBUF]
    ssem = bufs_and_sems[2 * _NBUF:]

    wid = lax.axis_index("s") * _NUM_CORES + lax.axis_index("c")
    row = wid // workers_per_seq
    col0 = (wid % workers_per_seq) * per_worker

    pltpu.sync_copy(tok_hbm.at[row, pl.ds(col0, per_worker)], idx_v)

    def gather_cp(g, b):
      return pltpu.make_async_copy(
          tab_hbm.at[idx_v.at[pl.ds(g * chunk, chunk)]], bufs[b], gsem[b])

    def scatter_cp(g, b):
      return pltpu.make_async_copy(
          bufs[b], out_hbm.at[row, pl.ds(col0 + g * chunk, chunk), :],
          ssem[b])

    for j in range(_PRIME):
      gather_cp(j, j).start()

    @pl.loop(0, n_groups)
    def _(grp):
      for b in range(_NBUF):
        g = grp * _NBUF + b
        nb = (b + _PRIME) % _NBUF

        @pl.when(jnp.logical_and(g >= slack, g < last_start))
        def _():
          scatter_cp(g - slack, nb).wait()

        @pl.when(g < last_start)
        def _():
          gather_cp(g + _PRIME, nb).start()

        gather_cp(g, b).wait()
        cur = bufs[b]

        @plsc.parallel_loop(0, chunk * vecs_per_row, unroll=8)
        def _(i):
          r = i // vecs_per_row
          sl = pl.ds((i % vecs_per_row) * _LANES, _LANES)
          cur[r, sl] = cur[r, sl] * scale

        scatter_cp(g, b).start()

    for g in range(n_chunks - _NBUF, n_chunks):
      scatter_cp(g, g % _NBUF).wait()

  return gather_kernel


def kernel(token, table):
  vocab, d_model = table.shape
  batch, seq = token.shape
  tok = token.astype(jnp.int32)
  return _make_sc_gather(batch, seq, vocab, d_model)(tok, table)

# --- scband reference (transcript-rebuilt; emitter-appended) ---
"""Pipeline reference for scband-transformer-embedding-45122926411832 (READ-ONLY COPY).

The authoritative reference and input builder live on the scoring server;
editing this copy changes nothing except your own understanding.
"""

import jax, jax.numpy as jnp
import numpy as np

VOCAB = 100000
D_MODEL = 1024
B, T = 4, 4096

def setup_inputs(seed: int = 0) -> dict:
    key = jax.random.key(seed)
    k1, k2 = jax.random.split(key)
    token = jax.random.randint(k1, (B, T), 0, VOCAB, dtype=jnp.int64 if jax.config.jax_enable_x64 else jnp.int32)
    table = jax.random.normal(k2, (VOCAB, D_MODEL), dtype=jnp.float32) * 0.02
    return {"token": token, "table": table}

def reference(token, table):
    # TransformerEmbedding.forward with use_rope=True: pure token embedding
    # scaled by sqrt(d_model); no positional encoding added.
    d_model = table.shape[1]
    scale = jnp.float32(np.sqrt(d_model))
    token_emb = jnp.take(table, token, axis=0) * scale
    return token_emb

if __name__ == "__main__":
    import jax
    _d = setup_inputs()
    print(jax.jit(kernel)(*tuple(_d.values())))

</pallas_src>

<mosaic_0001>
#map = affine_map<(d0, d1) -> (0, 0)>
#map1 = affine_map<(d0, d1) -> (0)>
#map2 = affine_map<(d0, d1) -> (0, 0, 0)>
module attributes {stable_mosaic.version = 14 : i64} {
  func.func @_rewritten_body(%arg0: i32, %arg1: i32, %arg2: memref<4x4096xi32, #tpu.memory_space<hbm>>, %arg3: memref<100000x1024xf32, #tpu.memory_space<hbm>>, %arg4: memref<1xf32, #tpu.memory_space<hbm>>, %arg5: memref<4x4096x1024xf32, #tpu.memory_space<hbm>>, %arg6: memref<512xi32, #tpu.memory_space<vmem>>, %arg7: memref<8x1024xf32, #tpu.memory_space<vmem>>, %arg8: memref<8x1024xf32, #tpu.memory_space<vmem>>, %arg9: memref<8x1024xf32, #tpu.memory_space<vmem>>, %arg10: memref<8x1024xf32, #tpu.memory_space<vmem>>, %arg11: memref<8x1024xf32, #tpu.memory_space<vmem>>, %arg12: memref<8x1024xf32, #tpu.memory_space<vmem>>, %arg13: memref<8x1024xf32, #tpu.memory_space<vmem>>, %arg14: memref<8x1024xf32, #tpu.memory_space<vmem>>, %arg15: memref<!tpu.dma_semaphore, #tpu.memory_space<semaphore_mem>>, %arg16: memref<!tpu.dma_semaphore, #tpu.memory_space<semaphore_mem>>, %arg17: memref<!tpu.dma_semaphore, #tpu.memory_space<semaphore_mem>>, %arg18: memref<!tpu.dma_semaphore, #tpu.memory_space<semaphore_mem>>, %arg19: memref<!tpu.dma_semaphore, #tpu.memory_space<semaphore_mem>>, %arg20: memref<!tpu.dma_semaphore, #tpu.memory_space<semaphore_mem>>, %arg21: memref<!tpu.dma_semaphore, #tpu.memory_space<semaphore_mem>>, %arg22: memref<!tpu.dma_semaphore, #tpu.memory_space<semaphore_mem>>, %arg23: memref<!tpu.dma_semaphore, #tpu.memory_space<semaphore_mem>>, %arg24: memref<!tpu.dma_semaphore, #tpu.memory_space<semaphore_mem>>, %arg25: memref<!tpu.dma_semaphore, #tpu.memory_space<semaphore_mem>>, %arg26: memref<!tpu.dma_semaphore, #tpu.memory_space<semaphore_mem>>, %arg27: memref<!tpu.dma_semaphore, #tpu.memory_space<semaphore_mem>>, %arg28: memref<!tpu.dma_semaphore, #tpu.memory_space<semaphore_mem>>, %arg29: memref<!tpu.dma_semaphore, #tpu.memory_space<semaphore_mem>>, %arg30: memref<!tpu.dma_semaphore, #tpu.memory_space<semaphore_mem>>) attributes {dimension_semantics = [#tpu.dimension_semantics<core_parallel>, #tpu.dimension_semantics<subcore_parallel>], iteration_bounds = array<i64: 2, 16>, scalar_prefetch = 0 : i64, scratch_operands = 25 : i64, tpu.core_type = #tpu.core_type<sc_vector_subcore>, window_params = [{transform_indices = #map}, {transform_indices = #map}, {transform_indices = #map1}, {transform_indices = #map2}]} {
    %empty_ref3A = memref.alloca() : memref<16xf32, #tpu.memory_space<vmem>>
    "tpu.region"() ({
      %run_scoped3A = tpu.sem_alloc : memref<!tpu.dma_semaphore, #tpu.memory_space<semaphore_mem>>
      %dma_start3A_136 = arith.constant 0 : i32
      %dma_start3A_137 = tpu.memref_slice %empty_ref3A[%dma_start3A_136] : memref<16xf32, #tpu.memory_space<vmem>> -> memref<1xf32, #tpu.memory_space<vmem>>
      %dma_start3A_138 = arith.constant 0 : i32
      %dma_start3A_139 = tpu.memref_slice %empty_ref3A[%dma_start3A_138] : memref<16xf32, #tpu.memory_space<vmem>> -> memref<1xf32, #tpu.memory_space<vmem>>
      tpu.enqueue_dma source(%arg4 : memref<1xf32, #tpu.memory_space<hbm>>) target(%dma_start3A_139 : memref<1xf32, #tpu.memory_space<vmem>>) target_semaphore(%run_scoped3A : memref<!tpu.dma_semaphore, #tpu.memory_space<semaphore_mem>>)
      %dma_wait3A_140 = arith.constant 0 : i32
      %dma_wait3A_141 = tpu.memref_slice %empty_ref3A[%dma_wait3A_140] : memref<16xf32, #tpu.memory_space<vmem>> -> memref<1xf32, #tpu.memory_space<vmem>>
      %dma_wait3A_142 = arith.constant 0 : i32
      %dma_wait3A_143 = tpu.memref_slice %empty_ref3A[%dma_wait3A_142] : memref<16xf32, #tpu.memory_space<vmem>> -> memref<1xf32, #tpu.memory_space<vmem>>
      tpu.wait_dma2 semaphore(%run_scoped3A : memref<!tpu.dma_semaphore, #tpu.memory_space<semaphore_mem>>) src(%arg4 : memref<1xf32, #tpu.memory_space<hbm>>) dst(%dma_wait3A_143 : memref<1xf32, #tpu.memory_space<vmem>>)
      tpu.yield
    }) : () -> ()
    %get3A = arith.constant 0 : index
    %get3A_0 = tpu.vector_load %empty_ref3A[%get3A] {strides = array<i32>} : memref<16xf32, #tpu.memory_space<vmem>>, vector<16xf32>,
    %get3A_1 = vector.shape_cast %get3A_0 : vector<16xf32> to vector<16xf32>
    %slice3A = vector.extract_strided_slice %get3A_1 {offsets = [0], sizes = [1], strides = [1]} : vector<16xf32> to vector<1xf32>
    %squeeze3A = vector.extract %slice3A[0] : f32 from vector<1xf32>
    %mul3A = arith.constant 2 : i32
    %mul3A_2 = arith.muli %arg1, %mul3A : i32
    %add3A = arith.addi %mul3A_2, %arg0 : i32
    %jit3A = arith.constant 8 : i32
    %div3A = arith.divsi %add3A, %jit3A : i32
    %sign3A = arith.constant 0 : i32
    %sign3A_3 = arith.cmpi sgt, %add3A, %sign3A : i32
    %sign3A_4 = arith.extui %sign3A_3 : i1 to i32
    %sign3A_5 = arith.constant 0 : i32
    %sign3A_6 = arith.cmpi slt, %add3A, %sign3A_5 : i32
    %sign3A_7 = arith.extui %sign3A_6 : i1 to i32
    %sign3A_8 = arith.subi %sign3A_4, %sign3A_7 : i32
    %sign3A_9 = arith.constant 0 : i32
    %sign3A_10 = arith.cmpi sgt, %jit3A, %sign3A_9 : i32
    %sign3A_11 = arith.extui %sign3A_10 : i1 to i32
    %sign3A_12 = arith.constant 0 : i32
    %sign3A_13 = arith.cmpi slt, %jit3A, %sign3A_12 : i32
    %sign3A_14 = arith.extui %sign3A_13 : i1 to i32
    %sign3A_15 = arith.subi %sign3A_11, %sign3A_14 : i32
    %ne3A = arith.cmpi ne, %sign3A_8, %sign3A_15 : i32
    %rem3A = arith.remsi %add3A, %jit3A : i32
    %ne3A_16 = arith.constant 0 : i32
    %ne3A_17 = arith.cmpi ne, %rem3A, %ne3A_16 : i32
    %and3A = arith.andi %ne3A, %ne3A_17 : i1
    %sub3A = arith.constant 1 : i32
    %sub3A_18 = arith.subi %div3A, %sub3A : i32
    %select_n3A = arith.select %and3A, %sub3A_18, %div3A : i32
    %jit3A_19 = arith.constant 8 : i32
    %eq3A = arith.constant 0 : i32
    %eq3A_20 = arith.cmpi eq, %jit3A_19, %eq3A : i32
    %jit3A_21 = arith.constant 1 : i32
    %select_n3A_22 = arith.select %eq3A_20, %jit3A_21, %jit3A_19 : i32
    %rem3A_23 = arith.remsi %add3A, %select_n3A_22 : i32
    %ne3A_24 = arith.constant 0 : i32
    %ne3A_25 = arith.cmpi ne, %rem3A_23, %ne3A_24 : i32
    %lt3A = arith.constant 0 : i32
    %lt3A_26 = arith.cmpi slt, %rem3A_23, %lt3A : i32
    %lt3A_27 = arith.constant 0 : i32
    %lt3A_28 = arith.cmpi slt, %select_n3A_22, %lt3A_27 : i32
    %ne3A_29 = arith.xori %lt3A_26, %lt3A_28 : i1
    %and3A_30 = arith.andi %ne3A_29, %ne3A_25 : i1
    %add3A_31 = arith.addi %rem3A_23, %select_n3A_22 : i32
    %select_n3A_32 = arith.select %and3A_30, %add3A_31, %rem3A_23 : i32
    %mul3A_33 = arith.constant 512 : i32
    %mul3A_34 = arith.muli %select_n3A_32, %mul3A_33 : i32
    "tpu.region"() ({
      %run_scoped3A = tpu.sem_alloc : memref<!tpu.dma_semaphore, #tpu.memory_space<semaphore_mem>>
      %dma_start3A_136 = tpu.memref_slice %arg2[%select_n3A, %mul3A_34] : memref<4x4096xi32, #tpu.memory_space<hbm>> -> memref<1x512xi32, #tpu.memory_space<hbm>>
      %dma_start3A_137 = tpu.memref_squeeze %dma_start3A_136 : memref<1x512xi32, #tpu.memory_space<hbm>> -> memref<512xi32, #tpu.memory_space<hbm>>
      %dma_start3A_138 = tpu.memref_slice %arg2[%select_n3A, %mul3A_34] : memref<4x4096xi32, #tpu.memory_space<hbm>> -> memref<1x512xi32, #tpu.memory_space<hbm>>
      %dma_start3A_139 = tpu.memref_squeeze %dma_start3A_138 : memref<1x512xi32, #tpu.memory_space<hbm>> -> memref<512xi32, #tpu.memory_space<hbm>>
      tpu.enqueue_dma source(%dma_start3A_139 : memref<512xi32, #tpu.memory_space<hbm>>) target(%arg6 : memref<512xi32, #tpu.memory_space<vmem>>) target_semaphore(%run_scoped3A : memref<!tpu.dma_semaphore, #tpu.memory_space<semaphore_mem>>)
      %dma_wait3A_140 = tpu.memref_slice %arg2[%select_n3A, %mul3A_34] : memref<4x4096xi32, #tpu.memory_space<hbm>> -> memref<1x512xi32, #tpu.memory_space<hbm>>
      %dma_wait3A_141 = tpu.memref_squeeze %dma_wait3A_140 : memref<1x512xi32, #tpu.memory_space<hbm>> -> memref<512xi32, #tpu.memory_space<hbm>>
      %dma_wait3A_142 = tpu.memref_slice %arg2[%select_n3A, %mul3A_34] : memref<4x4096xi32, #tpu.memory_space<hbm>> -> memref<1x512xi32, #tpu.memory_space<hbm>>
      %dma_wait3A_143 = tpu.memref_squeeze %dma_wait3A_142 : memref<1x512xi32, #tpu.memory_space<hbm>> -> memref<512xi32, #tpu.memory_space<hbm>>
      tpu.wait_dma2 semaphore(%run_scoped3A : memref<!tpu.dma_semaphore, #tpu.memory_space<semaphore_mem>>) src(%dma_wait3A_143 : memref<512xi32, #tpu.memory_space<hbm>>) dst(%arg6 : memref<512xi32, #tpu.memory_space<vmem>>)
      tpu.yield
    }) : () -> ()
    %dma_start3A = arith.constant 0 : i32
    %dma_start3A_35 = tpu.memref_slice %arg6[%dma_start3A] : memref<512xi32, #tpu.memory_space<vmem>> -> memref<8xi32, #tpu.memory_space<vmem>>
    %dma_start3A_36 = arith.constant 0 : i32
    %dma_start3A_37 = arith.constant 0 : i32
    %dma_start3A_38 = tpu.memref_slice %arg3[%dma_start3A_36, %dma_start3A_37] : memref<100000x1024xf32, #tpu.memory_space<hbm>> -> memref<100000x1024xf32, #tpu.memory_space<hbm>>
    tpu.enqueue_indirect_dma source(%dma_start3A_38 : memref<100000x1024xf32, #tpu.memory_space<hbm>>) target(%arg7 : memref<8x1024xf32, #tpu.memory_space<vmem>>) offsets(%dma_start3A_35 : memref<8xi32, #tpu.memory_space<vmem>>) semaphore(%arg15 : memref<!tpu.dma_semaphore, #tpu.memory_space<semaphore_mem>>)
    %dma_start3A_39 = arith.constant 8 : i32
    %dma_start3A_40 = tpu.memref_slice %arg6[%dma_start3A_39] : memref<512xi32, #tpu.memory_space<vmem>> -> memref<8xi32, #tpu.memory_space<vmem>>
    %dma_start3A_41 = arith.constant 0 : i32
    %dma_start3A_42 = arith.constant 0 : i32
    %dma_start3A_43 = tpu.memref_slice %arg3[%dma_start3A_41, %dma_start3A_42] : memref<100000x1024xf32, #tpu.memory_space<hbm>> -> memref<100000x1024xf32, #tpu.memory_space<hbm>>
    tpu.enqueue_indirect_dma source(%dma_start3A_43 : memref<100000x1024xf32, #tpu.memory_space<hbm>>) target(%arg8 : memref<8x1024xf32, #tpu.memory_space<vmem>>) offsets(%dma_start3A_40 : memref<8xi32, #tpu.memory_space<vmem>>) semaphore(%arg16 : memref<!tpu.dma_semaphore, #tpu.memory_space<semaphore_mem>>)
    %dma_start3A_44 = arith.constant 16 : i32
    %dma_start3A_45 = tpu.memref_slice %arg6[%dma_start3A_44] : memref<512xi32, #tpu.memory_space<vmem>> -> memref<8xi32, #tpu.memory_space<vmem>>
    %dma_start3A_46 = arith.constant 0 : i32
    %dma_start3A_47 = arith.constant 0 : i32
    %dma_start3A_48 = tpu.memref_slice %arg3[%dma_start3A_46, %dma_start3A_47] : memref<100000x1024xf32, #tpu.memory_space<hbm>> -> memref<100000x1024xf32, #tpu.memory_space<hbm>>
    tpu.enqueue_indirect_dma source(%dma_start3A_48 : memref<100000x1024xf32, #tpu.memory_space<hbm>>) target(%arg9 : memref<8x1024xf32, #tpu.memory_space<vmem>>) offsets(%dma_start3A_45 : memref<8xi32, #tpu.memory_space<vmem>>) semaphore(%arg17 : memref<!tpu.dma_semaphore, #tpu.memory_space<semaphore_mem>>)
    %dma_start3A_49 = arith.constant 24 : i32
    %dma_start3A_50 = tpu.memref_slice %arg6[%dma_start3A_49] : memref<512xi32, #tpu.memory_space<vmem>> -> memref<8xi32, #tpu.memory_space<vmem>>
    %dma_start3A_51 = arith.constant 0 : i32
    %dma_start3A_52 = arith.constant 0 : i32
    %dma_start3A_53 = tpu.memref_slice %arg3[%dma_start3A_51, %dma_start3A_52] : memref<100000x1024xf32, #tpu.memory_space<hbm>> -> memref<100000x1024xf32, #tpu.memory_space<hbm>>
    tpu.enqueue_indirect_dma source(%dma_start3A_53 : memref<100000x1024xf32, #tpu.memory_space<hbm>>) target(%arg10 : memref<8x1024xf32, #tpu.memory_space<vmem>>) offsets(%dma_start3A_50 : memref<8xi32, #tpu.memory_space<vmem>>) semaphore(%arg18 : memref<!tpu.dma_semaphore, #tpu.memory_space<semaphore_mem>>)
    %dma_start3A_54 = arith.constant 32 : i32
    %dma_start3A_55 = tpu.memref_slice %arg6[%dma_start3A_54] : memref<512xi32, #tpu.memory_space<vmem>> -> memref<8xi32, #tpu.memory_space<vmem>>
    %dma_start3A_56 = arith.constant 0 : i32
    %dma_start3A_57 = arith.constant 0 : i32
    %dma_start3A_58 = tpu.memref_slice %arg3[%dma_start3A_56, %dma_start3A_57] : memref<100000x1024xf32, #tpu.memory_space<hbm>> -> memref<100000x1024xf32, #tpu.memory_space<hbm>>
    tpu.enqueue_indirect_dma source(%dma_start3A_58 : memref<100000x1024xf32, #tpu.memory_space<hbm>>) target(%arg11 : memref<8x1024xf32, #tpu.memory_space<vmem>>) offsets(%dma_start3A_55 : memref<8xi32, #tpu.memory_space<vmem>>) semaphore(%arg19 : memref<!tpu.dma_semaphore, #tpu.memory_space<semaphore_mem>>)
    %dma_start3A_59 = arith.constant 40 : i32
    %dma_start3A_60 = tpu.memref_slice %arg6[%dma_start3A_59] : memref<512xi32, #tpu.memory_space<vmem>> -> memref<8xi32, #tpu.memory_space<vmem>>
    %dma_start3A_61 = arith.constant 0 : i32
    %dma_start3A_62 = arith.constant 0 : i32
    %dma_start3A_63 = tpu.memref_slice %arg3[%dma_start3A_61, %dma_start3A_62] : memref<100000x1024xf32, #tpu.memory_space<hbm>> -> memref<100000x1024xf32, #tpu.memory_space<hbm>>
    tpu.enqueue_indirect_dma source(%dma_start3A_63 : memref<100000x1024xf32, #tpu.memory_space<hbm>>) target(%arg12 : memref<8x1024xf32, #tpu.memory_space<vmem>>) offsets(%dma_start3A_60 : memref<8xi32, #tpu.memory_space<vmem>>) semaphore(%arg20 : memref<!tpu.dma_semaphore, #tpu.memory_space<semaphore_mem>>)
    %dma_start3A_64 = arith.constant 48 : i32
    %dma_start3A_65 = tpu.memref_slice %arg6[%dma_start3A_64] : memref<512xi32, #tpu.memory_space<vmem>> -> memref<8xi32, #tpu.memory_space<vmem>>
    %dma_start3A_66 = arith.constant 0 : i32
    %dma_start3A_67 = arith.constant 0 : i32
    %dma_start3A_68 = tpu.memref_slice %arg3[%dma_start3A_66, %dma_start3A_67] : memref<100000x1024xf32, #tpu.memory_space<hbm>> -> memref<100000x1024xf32, #tpu.memory_space<hbm>>
    tpu.enqueue_indirect_dma source(%dma_start3A_68 : memref<100000x1024xf32, #tpu.memory_space<hbm>>) target(%arg13 : memref<8x1024xf32, #tpu.memory_space<vmem>>) offsets(%dma_start3A_65 : memref<8xi32, #tpu.memory_space<vmem>>) semaphore(%arg21 : memref<!tpu.dma_semaphore, #tpu.memory_space<semaphore_mem>>)
    %scan3A = arith.constant 0 : i32
    %scan3A_69 = arith.constant 8 : i32
    %scan3A_70 = arith.addi %scan3A, %scan3A_69 : i32
    %scan3A_71 = arith.constant 1 : i32
    scf.for %scan3A_136 = %scan3A to %scan3A_70 step %scan3A_71  : i32 {
      %mul3A_137 = arith.constant 1 : i32
      %mul3A_138 = arith.muli %scan3A_136, %mul3A_137 : i32
      %add3A_139 = arith.constant 0 : i32
      %add3A_140 = arith.addi %add3A_139, %mul3A_138 : i32
      %mul3A_141 = arith.constant 8 : i32
      %mul3A_142 = arith.muli %add3A_140, %mul3A_141 : i32
      %add3A_143 = arith.constant 0 : i32
      %add3A_144 = arith.addi %mul3A_142, %add3A_143 : i32
      %ge3A = arith.constant 1 : i32
      %ge3A_145 = arith.cmpi sge, %add3A_144, %ge3A : i32
      %lt3A_146 = arith.constant 57 : i32
      %lt3A_147 = arith.cmpi slt, %add3A_144, %lt3A_146 : i32
      %and3A_148 = arith.andi %ge3A_145, %lt3A_147 : i1
      %convert_element_type3A = arith.extui %and3A_148 : i1 to i32
      %cond3A = arith.constant 0 : i32
      %cond3A_149 = arith.cmpi ne, %convert_element_type3A, %cond3A : i32
      scf.if %cond3A_149 {
        %sub3A_417 = arith.constant 1 : i32
        %sub3A_418 = arith.subi %add3A_144, %sub3A_417 : i32
        %mul3A_419 = arith.constant 8 : i32
        %mul3A_420 = arith.muli %sub3A_418, %mul3A_419 : i32
        %add3A_421 = arith.addi %mul3A_34, %mul3A_420 : i32
        %dma_wait3A_422 = arith.constant 0 : i32
        %dma_wait3A_423 = tpu.memref_slice %arg5[%select_n3A, %add3A_421, %dma_wait3A_422] : memref<4x4096x1024xf32, #tpu.memory_space<hbm>> -> memref<1x8x1024xf32, #tpu.memory_space<hbm>>
        %dma_wait3A_424 = tpu.memref_squeeze %dma_wait3A_423 : memref<1x8x1024xf32, #tpu.memory_space<hbm>> -> memref<8x1024xf32, #tpu.memory_space<hbm>>
        %dma_wait3A_425 = arith.constant 0 : i32
        %dma_wait3A_426 = tpu.memref_slice %arg5[%select_n3A, %add3A_421, %dma_wait3A_425] : memref<4x4096x1024xf32, #tpu.memory_space<hbm>> -> memref<1x8x1024xf32, #tpu.memory_space<hbm>>
        %dma_wait3A_427 = tpu.memref_squeeze %dma_wait3A_426 : memref<1x8x1024xf32, #tpu.memory_space<hbm>> -> memref<8x1024xf32, #tpu.memory_space<hbm>>
        tpu.wait_dma2 semaphore(%arg30 : memref<!tpu.dma_semaphore, #tpu.memory_space<semaphore_mem>>) src(%arg14 : memref<8x1024xf32, #tpu.memory_space<vmem>>) dst(%dma_wait3A_427 : memref<8x1024xf32, #tpu.memory_space<hbm>>)
      } else {
      }
      %lt3A_150 = arith.constant 57 : i32
      %lt3A_151 = arith.cmpi slt, %add3A_144, %lt3A_150 : i32
      %convert_element_type3A_152 = arith.extui %lt3A_151 : i1 to i32
      %cond3A_153 = arith.constant 0 : i32
      %cond3A_154 = arith.cmpi ne, %convert_element_type3A_152, %cond3A_153 : i32
      scf.if %cond3A_154 {
        %add3A_417 = arith.constant 7 : i32
        %add3A_418 = arith.addi %add3A_144, %add3A_417 : i32
        %mul3A_419 = arith.constant 8 : i32
        %mul3A_420 = arith.muli %add3A_418, %mul3A_419 : i32
        %dma_start3A_421 = tpu.memref_slice %arg6[%mul3A_420] : memref<512xi32, #tpu.memory_space<vmem>> -> memref<8xi32, #tpu.memory_space<vmem>>
        %dma_start3A_422 = arith.constant 0 : i32
        %dma_start3A_423 = arith.constant 0 : i32
        %dma_start3A_424 = tpu.memref_slice %arg3[%dma_start3A_422, %dma_start3A_423] : memref<100000x1024xf32, #tpu.memory_space<hbm>> -> memref<100000x1024xf32, #tpu.memory_space<hbm>>
        tpu.enqueue_indirect_dma source(%dma_start3A_424 : memref<100000x1024xf32, #tpu.memory_space<hbm>>) target(%arg14 : memref<8x1024xf32, #tpu.memory_space<vmem>>) offsets(%dma_start3A_421 : memref<8xi32, #tpu.memory_space<vmem>>) semaphore(%arg22 : memref<!tpu.dma_semaphore, #tpu.memory_space<semaphore_mem>>)
      } else {
      }
      %mul3A_155 = arith.constant 8 : i32
      %mul3A_156 = arith.muli %add3A_144, %mul3A_155 : i32
      %dma_wait3A_157 = tpu.memref_slice %arg6[%mul3A_156] : memref<512xi32, #tpu.memory_space<vmem>> -> memref<8xi32, #tpu.memory_space<vmem>>
      %dma_wait3A_158 = arith.constant 0 : i32
      %dma_wait3A_159 = arith.constant 0 : i32
      %dma_wait3A_160 = tpu.memref_slice %arg3[%dma_wait3A_158, %dma_wait3A_159] : memref<100000x1024xf32, #tpu.memory_space<hbm>> -> memref<100000x1024xf32, #tpu.memory_space<hbm>>
      tpu.wait_indirect_dma semaphore(%arg15 : memref<!tpu.dma_semaphore, #tpu.memory_space<semaphore_mem>>) src(%dma_wait3A_160 : memref<100000x1024xf32, #tpu.memory_space<hbm>>) dst(%arg7 : memref<8x1024xf32, #tpu.memory_space<vmem>>)
      %parallel_loop3A = arith.constant 0 : i32
      %parallel_loop3A_161 = arith.constant 512 : i32
      %parallel_loop3A_162 = arith.constant 1 : i32
      scf.for %parallel_loop3A_417 = %parallel_loop3A to %parallel_loop3A_161 step %parallel_loop3A_162  : i32 {
        %parallel_loop3A_418 = arith.constant 64 : i32
        %parallel_loop3A_419 = arith.divsi %parallel_loop3A_417, %parallel_loop3A_418 : i32
        %parallel_loop3A_420 = arith.constant 0 : i32
        %parallel_loop3A_421 = arith.cmpi sgt, %parallel_loop3A_417, %parallel_loop3A_420 : i32
        %parallel_loop3A_422 = arith.extui %parallel_loop3A_421 : i1 to i32
        %parallel_loop3A_423 = arith.constant 0 : i32
        %parallel_loop3A_424 = arith.cmpi slt, %parallel_loop3A_417, %parallel_loop3A_423 : i32
        %parallel_loop3A_425 = arith.extui %parallel_loop3A_424 : i1 to i32
        %parallel_loop3A_426 = arith.subi %parallel_loop3A_422, %parallel_loop3A_425 : i32
        %parallel_loop3A_427 = arith.constant 0 : i32
        %parallel_loop3A_428 = arith.cmpi sgt, %parallel_loop3A_418, %parallel_loop3A_427 : i32
        %parallel_loop3A_429 = arith.extui %parallel_loop3A_428 : i1 to i32
        %parallel_loop3A_430 = arith.constant 0 : i32
        %parallel_loop3A_431 = arith.cmpi slt, %parallel_loop3A_418, %parallel_loop3A_430 : i32
        %parallel_loop3A_432 = arith.extui %parallel_loop3A_431 : i1 to i32
        %parallel_loop3A_433 = arith.subi %parallel_loop3A_429, %parallel_loop3A_432 : i32
        %parallel_loop3A_434 = arith.cmpi ne, %parallel_loop3A_426, %parallel_loop3A_433 : i32
        %parallel_loop3A_435 = arith.remsi %parallel_loop3A_417, %parallel_loop3A_418 : i32
        %parallel_loop3A_436 = arith.constant 0 : i32
        %parallel_loop3A_437 = arith.cmpi ne, %parallel_loop3A_435, %parallel_loop3A_436 : i32
        %parallel_loop3A_438 = arith.andi %parallel_loop3A_434, %parallel_loop3A_437 : i1
        %parallel_loop3A_439 = arith.constant 1 : i32
        %parallel_loop3A_440 = arith.subi %parallel_loop3A_419, %parallel_loop3A_439 : i32
        %parallel_loop3A_441 = arith.select %parallel_loop3A_438, %parallel_loop3A_440, %parallel_loop3A_419 : i32
        %parallel_loop3A_442 = arith.constant 64 : i32
        %parallel_loop3A_443 = arith.constant 0 : i32
        %parallel_loop3A_444 = arith.cmpi eq, %parallel_loop3A_442, %parallel_loop3A_443 : i32
        %parallel_loop3A_445 = arith.constant 1 : i32
        %parallel_loop3A_446 = arith.select %parallel_loop3A_444, %parallel_loop3A_445, %parallel_loop3A_442 : i32
        %parallel_loop3A_447 = arith.remsi %parallel_loop3A_417, %parallel_loop3A_446 : i32
        %parallel_loop3A_448 = arith.constant 0 : i32
        %parallel_loop3A_449 = arith.cmpi ne, %parallel_loop3A_447, %parallel_loop3A_448 : i32
        %parallel_loop3A_450 = arith.constant 0 : i32
        %parallel_loop3A_451 = arith.cmpi slt, %parallel_loop3A_447, %parallel_loop3A_450 : i32
        %parallel_loop3A_452 = arith.constant 0 : i32
        %parallel_loop3A_453 = arith.cmpi slt, %parallel_loop3A_446, %parallel_loop3A_452 : i32
        %parallel_loop3A_454 = arith.xori %parallel_loop3A_451, %parallel_loop3A_453 : i1
        %parallel_loop3A_455 = arith.andi %parallel_loop3A_454, %parallel_loop3A_449 : i1
        %parallel_loop3A_456 = arith.addi %parallel_loop3A_447, %parallel_loop3A_446 : i32
        %parallel_loop3A_457 = arith.select %parallel_loop3A_455, %parallel_loop3A_456, %parallel_loop3A_447 : i32
        %parallel_loop3A_458 = arith.constant 16 : i32
        %parallel_loop3A_459 = arith.muli %parallel_loop3A_457, %parallel_loop3A_458 : i32
        %parallel_loop3A_460 = arith.index_cast %parallel_loop3A_441 : i32 to index
        %parallel_loop3A_461 = arith.index_cast %parallel_loop3A_459 : i32 to index
        %parallel_loop3A_462 = tpu.vector_load %arg7[%parallel_loop3A_460, %parallel_loop3A_461] {strides = array<i32>} : memref<8x1024xf32, #tpu.memory_space<vmem>>, vector<1x16xf32>,
        %parallel_loop3A_463 = vector.shape_cast %parallel_loop3A_462 : vector<1x16xf32> to vector<16xf32>
        %parallel_loop3A_464 = vector.broadcast %squeeze3A : f32 to vector<16xf32>
        %parallel_loop3A_465 = arith.mulf %parallel_loop3A_463, %parallel_loop3A_464 : vector<16xf32>
        %parallel_loop3A_466 = arith.index_cast %parallel_loop3A_441 : i32 to index
        %parallel_loop3A_467 = arith.index_cast %parallel_loop3A_459 : i32 to index
        %parallel_loop3A_468 = tpu.vector_load %arg7[%parallel_loop3A_466, %parallel_loop3A_467] {strides = array<i32>} : memref<8x1024xf32, #tpu.memory_space<vmem>>, vector<1x16xf32>,
        %parallel_loop3A_469 = vector.shape_cast %parallel_loop3A_468 : vector<1x16xf32> to vector<16xf32>
        %parallel_loop3A_470 = vector.shape_cast %parallel_loop3A_465 : vector<16xf32> to vector<1x16xf32>
        tpu.vector_store %arg7[%parallel_loop3A_466, %parallel_loop3A_467], %parallel_loop3A_470 {strides = array<i32>} : memref<8x1024xf32, #tpu.memory_space<vmem>>, vector<1x16xf32>,
      } {sc.loop_unroll_factor = 8 : i64, sc.parallel_access}
      %mul3A_163 = arith.constant 8 : i32
      %mul3A_164 = arith.muli %add3A_144, %mul3A_163 : i32
      %add3A_165 = arith.addi %mul3A_34, %mul3A_164 : i32
      %dma_start3A_166 = arith.constant 0 : i32
      %dma_start3A_167 = tpu.memref_slice %arg5[%select_n3A, %add3A_165, %dma_start3A_166] : memref<4x4096x1024xf32, #tpu.memory_space<hbm>> -> memref<1x8x1024xf32, #tpu.memory_space<hbm>>
      %dma_start3A_168 = tpu.memref_squeeze %dma_start3A_167 : memref<1x8x1024xf32, #tpu.memory_space<hbm>> -> memref<8x1024xf32, #tpu.memory_space<hbm>>
      %dma_start3A_169 = arith.constant 0 : i32
      %dma_start3A_170 = tpu.memref_slice %arg5[%select_n3A, %add3A_165, %dma_start3A_169] : memref<4x4096x1024xf32, #tpu.memory_space<hbm>> -> memref<1x8x1024xf32, #tpu.memory_space<hbm>>
      %dma_start3A_171 = tpu.memref_squeeze %dma_start3A_170 : memref<1x8x1024xf32, #tpu.memory_space<hbm>> -> memref<8x1024xf32, #tpu.memory_space<hbm>>
      tpu.enqueue_dma source(%arg7 : memref<8x1024xf32, #tpu.memory_space<vmem>>) target(%dma_start3A_171 : memref<8x1024xf32, #tpu.memory_space<hbm>>) target_semaphore(%arg23 : memref<!tpu.dma_semaphore, #tpu.memory_space<semaphore_mem>>)
      %mul3A_172 = arith.constant 8 : i32
      %mul3A_173 = arith.muli %add3A_140, %mul3A_172 : i32
      %add3A_174 = arith.constant 1 : i32
      %add3A_175 = arith.addi %mul3A_173, %add3A_174 : i32
      %ge3A_176 = arith.constant 1 : i32
      %ge3A_177 = arith.cmpi sge, %add3A_175, %ge3A_176 : i32
      %lt3A_178 = arith.constant 57 : i32
      %lt3A_179 = arith.cmpi slt, %add3A_175, %lt3A_178 : i32
      %and3A_180 = arith.andi %ge3A_177, %lt3A_179 : i1
      %convert_element_type3A_181 = arith.extui %and3A_180 : i1 to i32
      %cond3A_182 = arith.constant 0 : i32
      %cond3A_183 = arith.cmpi ne, %convert_element_type3A_181, %cond3A_182 : i32
      scf.if %cond3A_183 {
        %sub3A_417 = arith.constant 1 : i32
        %sub3A_418 = arith.subi %add3A_175, %sub3A_417 : i32
        %mul3A_419 = arith.constant 8 : i32
        %mul3A_420 = arith.muli %sub3A_418, %mul3A_419 : i32
        %add3A_421 = arith.addi %mul3A_34, %mul3A_420 : i32
        %dma_wait3A_422 = arith.constant 0 : i32
        %dma_wait3A_423 = tpu.memref_slice %arg5[%select_n3A, %add3A_421, %dma_wait3A_422] : memref<4x4096x1024xf32, #tpu.memory_space<hbm>> -> memref<1x8x1024xf32, #tpu.memory_space<hbm>>
        %dma_wait3A_424 = tpu.memref_squeeze %dma_wait3A_423 : memref<1x8x1024xf32, #tpu.memory_space<hbm>> -> memref<8x1024xf32, #tpu.memory_space<hbm>>
        %dma_wait3A_425 = arith.constant 0 : i32
        %dma_wait3A_426 = tpu.memref_slice %arg5[%select_n3A, %add3A_421, %dma_wait3A_425] : memref<4x4096x1024xf32, #tpu.memory_space<hbm>> -> memref<1x8x1024xf32, #tpu.memory_space<hbm>>
        %dma_wait3A_427 = tpu.memref_squeeze %dma_wait3A_426 : memref<1x8x1024xf32, #tpu.memory_space<hbm>> -> memref<8x1024xf32, #tpu.memory_space<hbm>>
        tpu.wait_dma2 semaphore(%arg23 : memref<!tpu.dma_semaphore, #tpu.memory_space<semaphore_mem>>) src(%arg7 : memref<8x1024xf32, #tpu.memory_space<vmem>>) dst(%dma_wait3A_427 : memref<8x1024xf32, #tpu.memory_space<hbm>>)
      } else {
      }
      %lt3A_184 = arith.constant 57 : i32
      %lt3A_185 = arith.cmpi slt, %add3A_175, %lt3A_184 : i32
      %convert_element_type3A_186 = arith.extui %lt3A_185 : i1 to i32
      %cond3A_187 = arith.constant 0 : i32
      %cond3A_188 = arith.cmpi ne, %convert_element_type3A_186, %cond3A_187 : i32
      scf.if %cond3A_188 {
        %add3A_417 = arith.constant 7 : i32
        %add3A_418 = arith.addi %add3A_175, %add3A_417 : i32
        %mul3A_419 = arith.constant 8 : i32
        %mul3A_420 = arith.muli %add3A_418, %mul3A_419 : i32
        %dma_start3A_421 = tpu.memref_slice %arg6[%mul3A_420] : memref<512xi32, #tpu.memory_space<vmem>> -> memref<8xi32, #tpu.memory_space<vmem>>
        %dma_start3A_422 = arith.constant 0 : i32
        %dma_start3A_423 = arith.constant 0 : i32
        %dma_start3A_424 = tpu.memref_slice %arg3[%dma_start3A_422, %dma_start3A_423] : memref<100000x1024xf32, #tpu.memory_space<hbm>> -> memref<100000x1024xf32, #tpu.memory_space<hbm>>
        tpu.enqueue_indirect_dma source(%dma_start3A_424 : memref<100000x1024xf32, #tpu.memory_space<hbm>>) target(%arg7 : memref<8x1024xf32, #tpu.memory_space<vmem>>) offsets(%dma_start3A_421 : memref<8xi32, #tpu.memory_space<vmem>>) semaphore(%arg15 : memref<!tpu.dma_semaphore, #tpu.memory_space<semaphore_mem>>)
      } else {
      }
      %mul3A_189 = arith.constant 8 : i32
      %mul3A_190 = arith.muli %add3A_175, %mul3A_189 : i32
      %dma_wait3A_191 = tpu.memref_slice %arg6[%mul3A_190] : memref<512xi32, #tpu.memory_space<vmem>> -> memref<8xi32, #tpu.memory_space<vmem>>
      %dma_wait3A_192 = arith.constant 0 : i32
      %dma_wait3A_193 = arith.constant 0 : i32
      %dma_wait3A_194 = tpu.memref_slice %arg3[%dma_wait3A_192, %dma_wait3A_193] : memref<100000x1024xf32, #tpu.memory_space<hbm>> -> memref<100000x1024xf32, #tpu.memory_space<hbm>>
      tpu.wait_indirect_dma semaphore(%arg16 : memref<!tpu.dma_semaphore, #tpu.memory_space<semaphore_mem>>) src(%dma_wait3A_194 : memref<100000x1024xf32, #tpu.memory_space<hbm>>) dst(%arg8 : memref<8x1024xf32, #tpu.memory_space<vmem>>)
      %parallel_loop3A_195 = arith.constant 0 : i32
      %parallel_loop3A_196 = arith.constant 512 : i32
      %parallel_loop3A_197 = arith.constant 1 : i32
      scf.for %parallel_loop3A_417 = %parallel_loop3A_195 to %parallel_loop3A_196 step %parallel_loop3A_197  : i32 {
        %parallel_loop3A_418 = arith.constant 64 : i32
        %parallel_loop3A_419 = arith.divsi %parallel_loop3A_417, %parallel_loop3A_418 : i32
        %parallel_loop3A_420 = arith.constant 0 : i32
        %parallel_loop3A_421 = arith.cmpi sgt, %parallel_loop3A_417, %parallel_loop3A_420 : i32
        %parallel_loop3A_422 = arith.extui %parallel_loop3A_421 : i1 to i32
        %parallel_loop3A_423 = arith.constant 0 : i32
        %parallel_loop3A_424 = arith.cmpi slt, %parallel_loop3A_417, %parallel_loop3A_423 : i32
        %parallel_loop3A_425 = arith.extui %parallel_loop3A_424 : i1 to i32
        %parallel_loop3A_426 = arith.subi %parallel_loop3A_422, %parallel_loop3A_425 : i32
        %parallel_loop3A_427 = arith.constant 0 : i32
        %parallel_loop3A_428 = arith.cmpi sgt, %parallel_loop3A_418, %parallel_loop3A_427 : i32
        %parallel_loop3A_429 = arith.extui %parallel_loop3A_428 : i1 to i32
        %parallel_loop3A_430 = arith.constant 0 : i32
        %parallel_loop3A_431 = arith.cmpi slt, %parallel_loop3A_418, %parallel_loop3A_430 : i32
        %parallel_loop3A_432 = arith.extui %parallel_loop3A_431 : i1 to i32
        %parallel_loop3A_433 = arith.subi %parallel_loop3A_429, %parallel_loop3A_432 : i32
        %parallel_loop3A_434 = arith.cmpi ne, %parallel_loop3A_426, %parallel_loop3A_433 : i32
        %parallel_loop3A_435 = arith.remsi %parallel_loop3A_417, %parallel_loop3A_418 : i32
        %parallel_loop3A_436 = arith.constant 0 : i32
        %parallel_loop3A_437 = arith.cmpi ne, %parallel_loop3A_435, %parallel_loop3A_436 : i32
        %parallel_loop3A_438 = arith.andi %parallel_loop3A_434, %parallel_loop3A_437 : i1
        %parallel_loop3A_439 = arith.constant 1 : i32
        %parallel_loop3A_440 = arith.subi %parallel_loop3A_419, %parallel_loop3A_439 : i32
        %parallel_loop3A_441 = arith.select %parallel_loop3A_438, %parallel_loop3A_440, %parallel_loop3A_419 : i32
        %parallel_loop3A_442 = arith.constant 64 : i32
        %parallel_loop3A_443 = arith.constant 0 : i32
        %parallel_loop3A_444 = arith.cmpi eq, %parallel_loop3A_442, %parallel_loop3A_443 : i32
        %parallel_loop3A_445 = arith.constant 1 : i32
        %parallel_loop3A_446 = arith.select %parallel_loop3A_444, %parallel_loop3A_445, %parallel_loop3A_442 : i32
        %parallel_loop3A_447 = arith.remsi %parallel_loop3A_417, %parallel_loop3A_446 : i32
        %parallel_loop3A_448 = arith.constant 0 : i32
        %parallel_loop3A_449 = arith.cmpi ne, %parallel_loop3A_447, %parallel_loop3A_448 : i32
        %parallel_loop3A_450 = arith.constant 0 : i32
        %parallel_loop3A_451 = arith.cmpi slt, %parallel_loop3A_447, %parallel_loop3A_450 : i32
        %parallel_loop3A_452 = arith.constant 0 : i32
        %parallel_loop3A_453 = arith.cmpi slt, %parallel_loop3A_446, %parallel_loop3A_452 : i32
        %parallel_loop3A_454 = arith.xori %parallel_loop3A_451, %parallel_loop3A_453 : i1
        %parallel_loop3A_455 = arith.andi %parallel_loop3A_454, %parallel_loop3A_449 : i1
        %parallel_loop3A_456 = arith.addi %parallel_loop3A_447, %parallel_loop3A_446 : i32
        %parallel_loop3A_457 = arith.select %parallel_loop3A_455, %parallel_loop3A_456, %parallel_loop3A_447 : i32
        %parallel_loop3A_458 = arith.constant 16 : i32
        %parallel_loop3A_459 = arith.muli %parallel_loop3A_457, %parallel_loop3A_458 : i32
        %parallel_loop3A_460 = arith.index_cast %parallel_loop3A_441 : i32 to index
        %parallel_loop3A_461 = arith.index_cast %parallel_loop3A_459 : i32 to index
        %parallel_loop3A_462 = tpu.vector_load %arg8[%parallel_loop3A_460, %parallel_loop3A_461] {strides = array<i32>} : memref<8x1024xf32, #tpu.memory_space<vmem>>, vector<1x16xf32>,
        %parallel_loop3A_463 = vector.shape_cast %parallel_loop3A_462 : vector<1x16xf32> to vector<16xf32>
        %parallel_loop3A_464 = vector.broadcast %squeeze3A : f32 to vector<16xf32>
        %parallel_loop3A_465 = arith.mulf %parallel_loop3A_463, %parallel_loop3A_464 : vector<16xf32>
        %parallel_loop3A_466 = arith.index_cast %parallel_loop3A_441 : i32 to index
        %parallel_loop3A_467 = arith.index_cast %parallel_loop3A_459 : i32 to index
        %parallel_loop3A_468 = tpu.vector_load %arg8[%parallel_loop3A_466, %parallel_loop3A_467] {strides = array<i32>} : memref<8x1024xf32, #tpu.memory_space<vmem>>, vector<1x16xf32>,
        %parallel_loop3A_469 = vector.shape_cast %parallel_loop3A_468 : vector<1x16xf32> to vector<16xf32>
        %parallel_loop3A_470 = vector.shape_cast %parallel_loop3A_465 : vector<16xf32> to vector<1x16xf32>
        tpu.vector_store %arg8[%parallel_loop3A_466, %parallel_loop3A_467], %parallel_loop3A_470 {strides = array<i32>} : memref<8x1024xf32, #tpu.memory_space<vmem>>, vector<1x16xf32>,
      } {sc.loop_unroll_factor = 8 : i64, sc.parallel_access}
      %mul3A_198 = arith.constant 8 : i32
      %mul3A_199 = arith.muli %add3A_175, %mul3A_198 : i32
      %add3A_200 = arith.addi %mul3A_34, %mul3A_199 : i32
      %dma_start3A_201 = arith.constant 0 : i32
      %dma_start3A_202 = tpu.memref_slice %arg5[%select_n3A, %add3A_200, %dma_start3A_201] : memref<4x4096x1024xf32, #tpu.memory_space<hbm>> -> memref<1x8x1024xf32, #tpu.memory_space<hbm>>
      %dma_start3A_203 = tpu.memref_squeeze %dma_start3A_202 : memref<1x8x1024xf32, #tpu.memory_space<hbm>> -> memref<8x1024xf32, #tpu.memory_space<hbm>>
      %dma_start3A_204 = arith.constant 0 : i32
      %dma_start3A_205 = tpu.memref_slice %arg5[%select_n3A, %add3A_200, %dma_start3A_204] : memref<4x4096x1024xf32, #tpu.memory_space<hbm>> -> memref<1x8x1024xf32, #tpu.memory_space<hbm>>
      %dma_start3A_206 = tpu.memref_squeeze %dma_start3A_205 : memref<1x8x1024xf32, #tpu.memory_space<hbm>> -> memref<8x1024xf32, #tpu.memory_space<hbm>>
      tpu.enqueue_dma source(%arg8 : memref<8x1024xf32, #tpu.memory_space<vmem>>) target(%dma_start3A_206 : memref<8x1024xf32, #tpu.memory_space<hbm>>) target_semaphore(%arg24 : memref<!tpu.dma_semaphore, #tpu.memory_space<semaphore_mem>>)
      %mul3A_207 = arith.constant 8 : i32
      %mul3A_208 = arith.muli %add3A_140, %mul3A_207 : i32
      %add3A_209 = arith.constant 2 : i32
      %add3A_210 = arith.addi %mul3A_208, %add3A_209 : i32
      %ge3A_211 = arith.constant 1 : i32
      %ge3A_212 = arith.cmpi sge, %add3A_210, %ge3A_211 : i32
      %lt3A_213 = arith.constant 57 : i32
      %lt3A_214 = arith.cmpi slt, %add3A_210, %lt3A_213 : i32
      %and3A_215 = arith.andi %ge3A_212, %lt3A_214 : i1
      %convert_element_type3A_216 = arith.extui %and3A_215 : i1 to i32
      %cond3A_217 = arith.constant 0 : i32
      %cond3A_218 = arith.cmpi ne, %convert_element_type3A_216, %cond3A_217 : i32
      scf.if %cond3A_218 {
        %sub3A_417 = arith.constant 1 : i32
        %sub3A_418 = arith.subi %add3A_210, %sub3A_417 : i32
        %mul3A_419 = arith.constant 8 : i32
        %mul3A_420 = arith.muli %sub3A_418, %mul3A_419 : i32
        %add3A_421 = arith.addi %mul3A_34, %mul3A_420 : i32
        %dma_wait3A_422 = arith.constant 0 : i32
        %dma_wait3A_423 = tpu.memref_slice %arg5[%select_n3A, %add3A_421, %dma_wait3A_422] : memref<4x4096x1024xf32, #tpu.memory_space<hbm>> -> memref<1x8x1024xf32, #tpu.memory_space<hbm>>
        %dma_wait3A_424 = tpu.memref_squeeze %dma_wait3A_423 : memref<1x8x1024xf32, #tpu.memory_space<hbm>> -> memref<8x1024xf32, #tpu.memory_space<hbm>>
        %dma_wait3A_425 = arith.constant 0 : i32
        %dma_wait3A_426 = tpu.memref_slice %arg5[%select_n3A, %add3A_421, %dma_wait3A_425] : memref<4x4096x1024xf32, #tpu.memory_space<hbm>> -> memref<1x8x1024xf32, #tpu.memory_space<hbm>>
        %dma_wait3A_427 = tpu.memref_squeeze %dma_wait3A_426 : memref<1x8x1024xf32, #tpu.memory_space<hbm>> -> memref<8x1024xf32, #tpu.memory_space<hbm>>
        tpu.wait_dma2 semaphore(%arg24 : memref<!tpu.dma_semaphore, #tpu.memory_space<semaphore_mem>>) src(%arg8 : memref<8x1024xf32, #tpu.memory_space<vmem>>) dst(%dma_wait3A_427 : memref<8x1024xf32, #tpu.memory_space<hbm>>)
      } else {
      }
      %lt3A_219 = arith.constant 57 : i32
      %lt3A_220 = arith.cmpi slt, %add3A_210, %lt3A_219 : i32
      %convert_element_type3A_221 = arith.extui %lt3A_220 : i1 to i32
      %cond3A_222 = arith.constant 0 : i32
      %cond3A_223 = arith.cmpi ne, %convert_element_type3A_221, %cond3A_222 : i32
      scf.if %cond3A_223 {
        %add3A_417 = arith.constant 7 : i32
        %add3A_418 = arith.addi %add3A_210, %add3A_417 : i32
        %mul3A_419 = arith.constant 8 : i32
        %mul3A_420 = arith.muli %add3A_418, %mul3A_419 : i32
        %dma_start3A_421 = tpu.memref_slice %arg6[%mul3A_420] : memref<512xi32, #tpu.memory_space<vmem>> -> memref<8xi32, #tpu.memory_space<vmem>>
        %dma_start3A_422 = arith.constant 0 : i32
        %dma_start3A_423 = arith.constant 0 : i32
        %dma_start3A_424 = tpu.memref_slice %arg3[%dma_start3A_422, %dma_start3A_423] : memref<100000x1024xf32, #tpu.memory_space<hbm>> -> memref<100000x1024xf32, #tpu.memory_space<hbm>>
        tpu.enqueue_indirect_dma source(%dma_start3A_424 : memref<100000x1024xf32, #tpu.memory_space<hbm>>) target(%arg8 : memref<8x1024xf32, #tpu.memory_space<vmem>>) offsets(%dma_start3A_421 : memref<8xi32, #tpu.memory_space<vmem>>) semaphore(%arg16 : memref<!tpu.dma_semaphore, #tpu.memory_space<semaphore_mem>>)
      } else {
      }
      %mul3A_224 = arith.constant 8 : i32
      %mul3A_225 = arith.muli %add3A_210, %mul3A_224 : i32
      %dma_wait3A_226 = tpu.memref_slice %arg6[%mul3A_225] : memref<512xi32, #tpu.memory_space<vmem>> -> memref<8xi32, #tpu.memory_space<vmem>>
      %dma_wait3A_227 = arith.constant 0 : i32
      %dma_wait3A_228 = arith.constant 0 : i32
      %dma_wait3A_229 = tpu.memref_slice %arg3[%dma_wait3A_227, %dma_wait3A_228] : memref<100000x1024xf32, #tpu.memory_space<hbm>> -> memref<100000x1024xf32, #tpu.memory_space<hbm>>
      tpu.wait_indirect_dma semaphore(%arg17 : memref<!tpu.dma_semaphore, #tpu.memory_space<semaphore_mem>>) src(%dma_wait3A_229 : memref<100000x1024xf32, #tpu.memory_space<hbm>>) dst(%arg9 : memref<8x1024xf32, #tpu.memory_space<vmem>>)
      %parallel_loop3A_230 = arith.constant 0 : i32
      %parallel_loop3A_231 = arith.constant 512 : i32
      %parallel_loop3A_232 = arith.constant 1 : i32
      scf.for %parallel_loop3A_417 = %parallel_loop3A_230 to %parallel_loop3A_231 step %parallel_loop3A_232  : i32 {
        %parallel_loop3A_418 = arith.constant 64 : i32
        %parallel_loop3A_419 = arith.divsi %parallel_loop3A_417, %parallel_loop3A_418 : i32
        %parallel_loop3A_420 = arith.constant 0 : i32
        %parallel_loop3A_421 = arith.cmpi sgt, %parallel_loop3A_417, %parallel_loop3A_420 : i32
        %parallel_loop3A_422 = arith.extui %parallel_loop3A_421 : i1 to i32
        %parallel_loop3A_423 = arith.constant 0 : i32
        %parallel_loop3A_424 = arith.cmpi slt, %parallel_loop3A_417, %parallel_loop3A_423 : i32
        %parallel_loop3A_425 = arith.extui %parallel_loop3A_424 : i1 to i32
        %parallel_loop3A_426 = arith.subi %parallel_loop3A_422, %parallel_loop3A_425 : i32
        %parallel_loop3A_427 = arith.constant 0 : i32
        %parallel_loop3A_428 = arith.cmpi sgt, %parallel_loop3A_418, %parallel_loop3A_427 : i32
        %parallel_loop3A_429 = arith.extui %parallel_loop3A_428 : i1 to i32
        %parallel_loop3A_430 = arith.constant 0 : i32
        %parallel_loop3A_431 = arith.cmpi slt, %parallel_loop3A_418, %parallel_loop3A_430 : i32
        %parallel_loop3A_432 = arith.extui %parallel_loop3A_431 : i1 to i32
        %parallel_loop3A_433 = arith.subi %parallel_loop3A_429, %parallel_loop3A_432 : i32
        %parallel_loop3A_434 = arith.cmpi ne, %parallel_loop3A_426, %parallel_loop3A_433 : i32
        %parallel_loop3A_435 = arith.remsi %parallel_loop3A_417, %parallel_loop3A_418 : i32
        %parallel_loop3A_436 = arith.constant 0 : i32
        %parallel_loop3A_437 = arith.cmpi ne, %parallel_loop3A_435, %parallel_loop3A_436 : i32
        %parallel_loop3A_438 = arith.andi %parallel_loop3A_434, %parallel_loop3A_437 : i1
        %parallel_loop3A_439 = arith.constant 1 : i32
        %parallel_loop3A_440 = arith.subi %parallel_loop3A_419, %parallel_loop3A_439 : i32
        %parallel_loop3A_441 = arith.select %parallel_loop3A_438, %parallel_loop3A_440, %parallel_loop3A_419 : i32
        %parallel_loop3A_442 = arith.constant 64 : i32
        %parallel_loop3A_443 = arith.constant 0 : i32
        %parallel_loop3A_444 = arith.cmpi eq, %parallel_loop3A_442, %parallel_loop3A_443 : i32
        %parallel_loop3A_445 = arith.constant 1 : i32
        %parallel_loop3A_446 = arith.select %parallel_loop3A_444, %parallel_loop3A_445, %parallel_loop3A_442 : i32
        %parallel_loop3A_447 = arith.remsi %parallel_loop3A_417, %parallel_loop3A_446 : i32
        %parallel_loop3A_448 = arith.constant 0 : i32
        %parallel_loop3A_449 = arith.cmpi ne, %parallel_loop3A_447, %parallel_loop3A_448 : i32
        %parallel_loop3A_450 = arith.constant 0 : i32
        %parallel_loop3A_451 = arith.cmpi slt, %parallel_loop3A_447, %parallel_loop3A_450 : i32
        %parallel_loop3A_452 = arith.constant 0 : i32
        %parallel_loop3A_453 = arith.cmpi slt, %parallel_loop3A_446, %parallel_loop3A_452 : i32
        %parallel_loop3A_454 = arith.xori %parallel_loop3A_451, %parallel_loop3A_453 : i1
        %parallel_loop3A_455 = arith.andi %parallel_loop3A_454, %parallel_loop3A_449 : i1
        %parallel_loop3A_456 = arith.addi %parallel_loop3A_447, %parallel_loop3A_446 : i32
        %parallel_loop3A_457 = arith.select %parallel_loop3A_455, %parallel_loop3A_456, %parallel_loop3A_447 : i32
        %parallel_loop3A_458 = arith.constant 16 : i32
        %parallel_loop3A_459 = arith.muli %parallel_loop3A_457, %parallel_loop3A_458 : i32
        %parallel_loop3A_460 = arith.index_cast %parallel_loop3A_441 : i32 to index
        %parallel_loop3A_461 = arith.index_cast %parallel_loop3A_459 : i32 to index
        %parallel_loop3A_462 = tpu.vector_load %arg9[%parallel_loop3A_460, %parallel_loop3A_461] {strides = array<i32>} : memref<8x1024xf32, #tpu.memory_space<vmem>>, vector<1x16xf32>,
        %parallel_loop3A_463 = vector.shape_cast %parallel_loop3A_462 : vector<1x16xf32> to vector<16xf32>
        %parallel_loop3A_464 = vector.broadcast %squeeze3A : f32 to vector<16xf32>
        %parallel_loop3A_465 = arith.mulf %parallel_loop3A_463, %parallel_loop3A_464 : vector<16xf32>
        %parallel_loop3A_466 = arith.index_cast %parallel_loop3A_441 : i32 to index
        %parallel_loop3A_467 = arith.index_cast %parallel_loop3A_459 : i32 to index
        %parallel_loop3A_468 = tpu.vector_load %arg9[%parallel_loop3A_466, %parallel_loop3A_467] {strides = array<i32>} : memref<8x1024xf32, #tpu.memory_space<vmem>>, vector<1x16xf32>,
        %parallel_loop3A_469 = vector.shape_cast %parallel_loop3A_468 : vector<1x16xf32> to vector<16xf32>
        %parallel_loop3A_470 = vector.shape_cast %parallel_loop3A_465 : vector<16xf32> to vector<1x16xf32>
        tpu.vector_store %arg9[%parallel_loop3A_466, %parallel_loop3A_467], %parallel_loop3A_470 {strides = array<i32>} : memref<8x1024xf32, #tpu.memory_space<vmem>>, vector<1x16xf32>,
      } {sc.loop_unroll_factor = 8 : i64, sc.parallel_access}
      %mul3A_233 = arith.constant 8 : i32
      %mul3A_234 = arith.muli %add3A_210, %mul3A_233 : i32
      %add3A_235 = arith.addi %mul3A_34, %mul3A_234 : i32
      %dma_start3A_236 = arith.constant 0 : i32
      %dma_start3A_237 = tpu.memref_slice %arg5[%select_n3A, %add3A_235, %dma_start3A_236] : memref<4x4096x1024xf32, #tpu.memory_space<hbm>> -> memref<1x8x1024xf32, #tpu.memory_space<hbm>>
      %dma_start3A_238 = tpu.memref_squeeze %dma_start3A_237 : memref<1x8x1024xf32, #tpu.memory_space<hbm>> -> memref<8x1024xf32, #tpu.memory_space<hbm>>
      %dma_start3A_239 = arith.constant 0 : i32
      %dma_start3A_240 = tpu.memref_slice %arg5[%select_n3A, %add3A_235, %dma_start3A_239] : memref<4x4096x1024xf32, #tpu.memory_space<hbm>> -> memref<1x8x1024xf32, #tpu.memory_space<hbm>>
      %dma_start3A_241 = tpu.memref_squeeze %dma_start3A_240 : memref<1x8x1024xf32, #tpu.memory_space<hbm>> -> memref<8x1024xf32, #tpu.memory_space<hbm>>
      tpu.enqueue_dma source(%arg9 : memref<8x1024xf32, #tpu.memory_space<vmem>>) target(%dma_start3A_241 : memref<8x1024xf32, #tpu.memory_space<hbm>>) target_semaphore(%arg25 : memref<!tpu.dma_semaphore, #tpu.memory_space<semaphore_mem>>)
      %mul3A_242 = arith.constant 8 : i32
      %mul3A_243 = arith.muli %add3A_140, %mul3A_242 : i32
      %add3A_244 = arith.constant 3 : i32
      %add3A_245 = arith.addi %mul3A_243, %add3A_244 : i32
      %ge3A_246 = arith.constant 1 : i32
      %ge3A_247 = arith.cmpi sge, %add3A_245, %ge3A_246 : i32
      %lt3A_248 = arith.constant 57 : i32
      %lt3A_249 = arith.cmpi slt, %add3A_245, %lt3A_248 : i32
      %and3A_250 = arith.andi %ge3A_247, %lt3A_249 : i1
      %convert_element_type3A_251 = arith.extui %and3A_250 : i1 to i32
      %cond3A_252 = arith.constant 0 : i32
      %cond3A_253 = arith.cmpi ne, %convert_element_type3A_251, %cond3A_252 : i32
      scf.if %cond3A_253 {
        %sub3A_417 = arith.constant 1 : i32
        %sub3A_418 = arith.subi %add3A_245, %sub3A_417 : i32
        %mul3A_419 = arith.constant 8 : i32
        %mul3A_420 = arith.muli %sub3A_418, %mul3A_419 : i32
        %add3A_421 = arith.addi %mul3A_34, %mul3A_420 : i32
        %dma_wait3A_422 = arith.constant 0 : i32
        %dma_wait3A_423 = tpu.memref_slice %arg5[%select_n3A, %add3A_421, %dma_wait3A_422] : memref<4x4096x1024xf32, #tpu.memory_space<hbm>> -> memref<1x8x1024xf32, #tpu.memory_space<hbm>>
        %dma_wait3A_424 = tpu.memref_squeeze %dma_wait3A_423 : memref<1x8x1024xf32, #tpu.memory_space<hbm>> -> memref<8x1024xf32, #tpu.memory_space<hbm>>
        %dma_wait3A_425 = arith.constant 0 : i32
        %dma_wait3A_426 = tpu.memref_slice %arg5[%select_n3A, %add3A_421, %dma_wait3A_425] : memref<4x4096x1024xf32, #tpu.memory_space<hbm>> -> memref<1x8x1024xf32, #tpu.memory_space<hbm>>
        %dma_wait3A_427 = tpu.memref_squeeze %dma_wait3A_426 : memref<1x8x1024xf32, #tpu.memory_space<hbm>> -> memref<8x1024xf32, #tpu.memory_space<hbm>>
        tpu.wait_dma2 semaphore(%arg25 : memref<!tpu.dma_semaphore, #tpu.memory_space<semaphore_mem>>) src(%arg9 : memref<8x1024xf32, #tpu.memory_space<vmem>>) dst(%dma_wait3A_427 : memref<8x1024xf32, #tpu.memory_space<hbm>>)
      } else {
      }
      %lt3A_254 = arith.constant 57 : i32
      %lt3A_255 = arith.cmpi slt, %add3A_245, %lt3A_254 : i32
      %convert_element_type3A_256 = arith.extui %lt3A_255 : i1 to i32
      %cond3A_257 = arith.constant 0 : i32
      %cond3A_258 = arith.cmpi ne, %convert_element_type3A_256, %cond3A_257 : i32
      scf.if %cond3A_258 {
        %add3A_417 = arith.constant 7 : i32
        %add3A_418 = arith.addi %add3A_245, %add3A_417 : i32
        %mul3A_419 = arith.constant 8 : i32
        %mul3A_420 = arith.muli %add3A_418, %mul3A_419 : i32
        %dma_start3A_421 = tpu.memref_slice %arg6[%mul3A_420] : memref<512xi32, #tpu.memory_space<vmem>> -> memref<8xi32, #tpu.memory_space<vmem>>
        %dma_start3A_422 = arith.constant 0 : i32
        %dma_start3A_423 = arith.constant 0 : i32
        %dma_start3A_424 = tpu.memref_slice %arg3[%dma_start3A_422, %dma_start3A_423] : memref<100000x1024xf32, #tpu.memory_space<hbm>> -> memref<100000x1024xf32, #tpu.memory_space<hbm>>
        tpu.enqueue_indirect_dma source(%dma_start3A_424 : memref<100000x1024xf32, #tpu.memory_space<hbm>>) target(%arg9 : memref<8x1024xf32, #tpu.memory_space<vmem>>) offsets(%dma_start3A_421 : memref<8xi32, #tpu.memory_space<vmem>>) semaphore(%arg17 : memref<!tpu.dma_semaphore, #tpu.memory_space<semaphore_mem>>)
      } else {
      }
      %mul3A_259 = arith.constant 8 : i32
      %mul3A_260 = arith.muli %add3A_245, %mul3A_259 : i32
      %dma_wait3A_261 = tpu.memref_slice %arg6[%mul3A_260] : memref<512xi32, #tpu.memory_space<vmem>> -> memref<8xi32, #tpu.memory_space<vmem>>
      %dma_wait3A_262 = arith.constant 0 : i32
      %dma_wait3A_263 = arith.constant 0 : i32
      %dma_wait3A_264 = tpu.memref_slice %arg3[%dma_wait3A_262, %dma_wait3A_263] : memref<100000x1024xf32, #tpu.memory_space<hbm>> -> memref<100000x1024xf32, #tpu.memory_space<hbm>>
      tpu.wait_indirect_dma semaphore(%arg18 : memref<!tpu.dma_semaphore, #tpu.memory_space<semaphore_mem>>) src(%dma_wait3A_264 : memref<100000x1024xf32, #tpu.memory_space<hbm>>) dst(%arg10 : memref<8x1024xf32, #tpu.memory_space<vmem>>)
      %parallel_loop3A_265 = arith.constant 0 : i32
      %parallel_loop3A_266 = arith.constant 512 : i32
      %parallel_loop3A_267 = arith.constant 1 : i32
      scf.for %parallel_loop3A_417 = %parallel_loop3A_265 to %parallel_loop3A_266 step %parallel_loop3A_267  : i32 {
        %parallel_loop3A_418 = arith.constant 64 : i32
        %parallel_loop3A_419 = arith.divsi %parallel_loop3A_417, %parallel_loop3A_418 : i32
        %parallel_loop3A_420 = arith.constant 0 : i32
        %parallel_loop3A_421 = arith.cmpi sgt, %parallel_loop3A_417, %parallel_loop3A_420 : i32
        %parallel_loop3A_422 = arith.extui %parallel_loop3A_421 : i1 to i32
        %parallel_loop3A_423 = arith.constant 0 : i32
        %parallel_loop3A_424 = arith.cmpi slt, %parallel_loop3A_417, %parallel_loop3A_423 : i32
        %parallel_loop3A_425 = arith.extui %parallel_loop3A_424 : i1 to i32
        %parallel_loop3A_426 = arith.subi %parallel_loop3A_422, %parallel_loop3A_425 : i32
        %parallel_loop3A_427 = arith.constant 0 : i32
        %parallel_loop3A_428 = arith.cmpi sgt, %parallel_loop3A_418, %parallel_loop3A_427 : i32
        %parallel_loop3A_429 = arith.extui %parallel_loop3A_428 : i1 to i32
        %parallel_loop3A_430 = arith.constant 0 : i32
        %parallel_loop3A_431 = arith.cmpi slt, %parallel_loop3A_418, %parallel_loop3A_430 : i32
        %parallel_loop3A_432 = arith.extui %parallel_loop3A_431 : i1 to i32
        %parallel_loop3A_433 = arith.subi %parallel_loop3A_429, %parallel_loop3A_432 : i32
        %parallel_loop3A_434 = arith.cmpi ne, %parallel_loop3A_426, %parallel_loop3A_433 : i32
        %parallel_loop3A_435 = arith.remsi %parallel_loop3A_417, %parallel_loop3A_418 : i32
        %parallel_loop3A_436 = arith.constant 0 : i32
        %parallel_loop3A_437 = arith.cmpi ne, %parallel_loop3A_435, %parallel_loop3A_436 : i32
        %parallel_loop3A_438 = arith.andi %parallel_loop3A_434, %parallel_loop3A_437 : i1
        %parallel_loop3A_439 = arith.constant 1 : i32
        %parallel_loop3A_440 = arith.subi %parallel_loop3A_419, %parallel_loop3A_439 : i32
        %parallel_loop3A_441 = arith.select %parallel_loop3A_438, %parallel_loop3A_440, %parallel_loop3A_419 : i32
        %parallel_loop3A_442 = arith.constant 64 : i32
        %parallel_loop3A_443 = arith.constant 0 : i32
        %parallel_loop3A_444 = arith.cmpi eq, %parallel_loop3A_442, %parallel_loop3A_443 : i32
        %parallel_loop3A_445 = arith.constant 1 : i32
        %parallel_loop3A_446 = arith.select %parallel_loop3A_444, %parallel_loop3A_445, %parallel_loop3A_442 : i32
        %parallel_loop3A_447 = arith.remsi %parallel_loop3A_417, %parallel_loop3A_446 : i32
        %parallel_loop3A_448 = arith.constant 0 : i32
        %parallel_loop3A_449 = arith.cmpi ne, %parallel_loop3A_447, %parallel_loop3A_448 : i32
        %parallel_loop3A_450 = arith.constant 0 : i32
        %parallel_loop3A_451 = arith.cmpi slt, %parallel_loop3A_447, %parallel_loop3A_450 : i32
        %parallel_loop3A_452 = arith.constant 0 : i32
        %parallel_loop3A_453 = arith.cmpi slt, %parallel_loop3A_446, %parallel_loop3A_452 : i32
        %parallel_loop3A_454 = arith.xori %parallel_loop3A_451, %parallel_loop3A_453 : i1
        %parallel_loop3A_455 = arith.andi %parallel_loop3A_454, %parallel_loop3A_449 : i1
        %parallel_loop3A_456 = arith.addi %parallel_loop3A_447, %parallel_loop3A_446 : i32
        %parallel_loop3A_457 = arith.select %parallel_loop3A_455, %parallel_loop3A_456, %parallel_loop3A_447 : i32
        %parallel_loop3A_458 = arith.constant 16 : i32
        %parallel_loop3A_459 = arith.muli %parallel_loop3A_457, %parallel_loop3A_458 : i32
        %parallel_loop3A_460 = arith.index_cast %parallel_loop3A_441 : i32 to index
        %parallel_loop3A_461 = arith.index_cast %parallel_loop3A_459 : i32 to index
        %parallel_loop3A_462 = tpu.vector_load %arg10[%parallel_loop3A_460, %parallel_loop3A_461] {strides = array<i32>} : memref<8x1024xf32, #tpu.memory_space<vmem>>, vector<1x16xf32>,
        %parallel_loop3A_463 = vector.shape_cast %parallel_loop3A_462 : vector<1x16xf32> to vector<16xf32>
        %parallel_loop3A_464 = vector.broadcast %squeeze3A : f32 to vector<16xf32>
        %parallel_loop3A_465 = arith.mulf %parallel_loop3A_463, %parallel_loop3A_464 : vector<16xf32>
        %parallel_loop3A_466 = arith.index_cast %parallel_loop3A_441 : i32 to index
        %parallel_loop3A_467 = arith.index_cast %parallel_loop3A_459 : i32 to index
        %parallel_loop3A_468 = tpu.vector_load %arg10[%parallel_loop3A_466, %parallel_loop3A_467] {strides = array<i32>} : memref<8x1024xf32, #tpu.memory_space<vmem>>, vector<1x16xf32>,
        %parallel_loop3A_469 = vector.shape_cast %parallel_loop3A_468 : vector<1x16xf32> to vector<16xf32>
        %parallel_loop3A_470 = vector.shape_cast %parallel_loop3A_465 : vector<16xf32> to vector<1x16xf32>
        tpu.vector_store %arg10[%parallel_loop3A_466, %parallel_loop3A_467], %parallel_loop3A_470 {strides = array<i32>} : memref<8x1024xf32, #tpu.memory_space<vmem>>, vector<1x16xf32>,
      } {sc.loop_unroll_factor = 8 : i64, sc.parallel_access}
      %mul3A_268 = arith.constant 8 : i32
      %mul3A_269 = arith.muli %add3A_245, %mul3A_268 : i32
      %add3A_270 = arith.addi %mul3A_34, %mul3A_269 : i32
      %dma_start3A_271 = arith.constant 0 : i32
      %dma_start3A_272 = tpu.memref_slice %arg5[%select_n3A, %add3A_270, %dma_start3A_271] : memref<4x4096x1024xf32, #tpu.memory_space<hbm>> -> memref<1x8x1024xf32, #tpu.memory_space<hbm>>
      %dma_start3A_273 = tpu.memref_squeeze %dma_start3A_272 : memref<1x8x1024xf32, #tpu.memory_space<hbm>> -> memref<8x1024xf32, #tpu.memory_space<hbm>>
      %dma_start3A_274 = arith.constant 0 : i32
      %dma_start3A_275 = tpu.memref_slice %arg5[%select_n3A, %add3A_270, %dma_start3A_274] : memref<4x4096x1024xf32, #tpu.memory_space<hbm>> -> memref<1x8x1024xf32, #tpu.memory_space<hbm>>
      %dma_start3A_276 = tpu.memref_squeeze %dma_start3A_275 : memref<1x8x1024xf32, #tpu.memory_space<hbm>> -> memref<8x1024xf32, #tpu.memory_space<hbm>>
      tpu.enqueue_dma source(%arg10 : memref<8x1024xf32, #tpu.memory_space<vmem>>) target(%dma_start3A_276 : memref<8x1024xf32, #tpu.memory_space<hbm>>) target_semaphore(%arg26 : memref<!tpu.dma_semaphore, #tpu.memory_space<semaphore_mem>>)
      %mul3A_277 = arith.constant 8 : i32
      %mul3A_278 = arith.muli %add3A_140, %mul3A_277 : i32
      %add3A_279 = arith.constant 4 : i32
      %add3A_280 = arith.addi %mul3A_278, %add3A_279 : i32
      %ge3A_281 = arith.constant 1 : i32
      %ge3A_282 = arith.cmpi sge, %add3A_280, %ge3A_281 : i32
      %lt3A_283 = arith.constant 57 : i32
      %lt3A_284 = arith.cmpi slt, %add3A_280, %lt3A_283 : i32
      %and3A_285 = arith.andi %ge3A_282, %lt3A_284 : i1
      %convert_element_type3A_286 = arith.extui %and3A_285 : i1 to i32
      %cond3A_287 = arith.constant 0 : i32
      %cond3A_288 = arith.cmpi ne, %convert_element_type3A_286, %cond3A_287 : i32
      scf.if %cond3A_288 {
        %sub3A_417 = arith.constant 1 : i32
        %sub3A_418 = arith.subi %add3A_280, %sub3A_417 : i32
        %mul3A_419 = arith.constant 8 : i32
        %mul3A_420 = arith.muli %sub3A_418, %mul3A_419 : i32
        %add3A_421 = arith.addi %mul3A_34, %mul3A_420 : i32
        %dma_wait3A_422 = arith.constant 0 : i32
        %dma_wait3A_423 = tpu.memref_slice %arg5[%select_n3A, %add3A_421, %dma_wait3A_422] : memref<4x4096x1024xf32, #tpu.memory_space<hbm>> -> memref<1x8x1024xf32, #tpu.memory_space<hbm>>
        %dma_wait3A_424 = tpu.memref_squeeze %dma_wait3A_423 : memref<1x8x1024xf32, #tpu.memory_space<hbm>> -> memref<8x1024xf32, #tpu.memory_space<hbm>>
        %dma_wait3A_425 = arith.constant 0 : i32
        %dma_wait3A_426 = tpu.memref_slice %arg5[%select_n3A, %add3A_421, %dma_wait3A_425] : memref<4x4096x1024xf32, #tpu.memory_space<hbm>> -> memref<1x8x1024xf32, #tpu.memory_space<hbm>>
        %dma_wait3A_427 = tpu.memref_squeeze %dma_wait3A_426 : memref<1x8x1024xf32, #tpu.memory_space<hbm>> -> memref<8x1024xf32, #tpu.memory_space<hbm>>
        tpu.wait_dma2 semaphore(%arg26 : memref<!tpu.dma_semaphore, #tpu.memory_space<semaphore_mem>>) src(%arg10 : memref<8x1024xf32, #tpu.memory_space<vmem>>) dst(%dma_wait3A_427 : memref<8x1024xf32, #tpu.memory_space<hbm>>)
      } else {
      }
      %lt3A_289 = arith.constant 57 : i32
      %lt3A_290 = arith.cmpi slt, %add3A_280, %lt3A_289 : i32
      %convert_element_type3A_291 = arith.extui %lt3A_290 : i1 to i32
      %cond3A_292 = arith.constant 0 : i32
      %cond3A_293 = arith.cmpi ne, %convert_element_type3A_291, %cond3A_292 : i32
      scf.if %cond3A_293 {
        %add3A_417 = arith.constant 7 : i32
        %add3A_418 = arith.addi %add3A_280, %add3A_417 : i32
        %mul3A_419 = arith.constant 8 : i32
        %mul3A_420 = arith.muli %add3A_418, %mul3A_419 : i32
        %dma_start3A_421 = tpu.memref_slice %arg6[%mul3A_420] : memref<512xi32, #tpu.memory_space<vmem>> -> memref<8xi32, #tpu.memory_space<vmem>>
        %dma_start3A_422 = arith.constant 0 : i32
        %dma_start3A_423 = arith.constant 0 : i32
        %dma_start3A_424 = tpu.memref_slice %arg3[%dma_start3A_422, %dma_start3A_423] : memref<100000x1024xf32, #tpu.memory_space<hbm>> -> memref<100000x1024xf32, #tpu.memory_space<hbm>>
        tpu.enqueue_indirect_dma source(%dma_start3A_424 : memref<100000x1024xf32, #tpu.memory_space<hbm>>) target(%arg10 : memref<8x1024xf32, #tpu.memory_space<vmem>>) offsets(%dma_start3A_421 : memref<8xi32, #tpu.memory_space<vmem>>) semaphore(%arg18 : memref<!tpu.dma_semaphore, #tpu.memory_space<semaphore_mem>>)
      } else {
      }
      %mul3A_294 = arith.constant 8 : i32
      %mul3A_295 = arith.muli %add3A_280, %mul3A_294 : i32
      %dma_wait3A_296 = tpu.memref_slice %arg6[%mul3A_295] : memref<512xi32, #tpu.memory_space<vmem>> -> memref<8xi32, #tpu.memory_space<vmem>>
      %dma_wait3A_297 = arith.constant 0 : i32
      %dma_wait3A_298 = arith.constant 0 : i32
      %dma_wait3A_299 = tpu.memref_slice %arg3[%dma_wait3A_297, %dma_wait3A_298] : memref<100000x1024xf32, #tpu.memory_space<hbm>> -> memref<100000x1024xf32, #tpu.memory_space<hbm>>
      tpu.wait_indirect_dma semaphore(%arg19 : memref<!tpu.dma_semaphore, #tpu.memory_space<semaphore_mem>>) src(%dma_wait3A_299 : memref<100000x1024xf32, #tpu.memory_space<hbm>>) dst(%arg11 : memref<8x1024xf32, #tpu.memory_space<vmem>>)
      %parallel_loop3A_300 = arith.constant 0 : i32
      %parallel_loop3A_301 = arith.constant 512 : i32
      %parallel_loop3A_302 = arith.constant 1 : i32
      scf.for %parallel_loop3A_417 = %parallel_loop3A_300 to %parallel_loop3A_301 step %parallel_loop3A_302  : i32 {
        %parallel_loop3A_418 = arith.constant 64 : i32
        %parallel_loop3A_419 = arith.divsi %parallel_loop3A_417, %parallel_loop3A_418 : i32
        %parallel_loop3A_420 = arith.constant 0 : i32
        %parallel_loop3A_421 = arith.cmpi sgt, %parallel_loop3A_417, %parallel_loop3A_420 : i32
        %parallel_loop3A_422 = arith.extui %parallel_loop3A_421 : i1 to i32
        %parallel_loop3A_423 = arith.constant 0 : i32
        %parallel_loop3A_424 = arith.cmpi slt, %parallel_loop3A_417, %parallel_loop3A_423 : i32
        %parallel_loop3A_425 = arith.extui %parallel_loop3A_424 : i1 to i32
        %parallel_loop3A_426 = arith.subi %parallel_loop3A_422, %parallel_loop3A_425 : i32
        %parallel_loop3A_427 = arith.constant 0 : i32
        %parallel_loop3A_428 = arith.cmpi sgt, %parallel_loop3A_418, %parallel_loop3A_427 : i32
        %parallel_loop3A_429 = arith.extui %parallel_loop3A_428 : i1 to i32
        %parallel_loop3A_430 = arith.constant 0 : i32
        %parallel_loop3A_431 = arith.cmpi slt, %parallel_loop3A_418, %parallel_loop3A_430 : i32
        %parallel_loop3A_432 = arith.extui %parallel_loop3A_431 : i1 to i32
        %parallel_loop3A_433 = arith.subi %parallel_loop3A_429, %parallel_loop3A_432 : i32
        %parallel_loop3A_434 = arith.cmpi ne, %parallel_loop3A_426, %parallel_loop3A_433 : i32
        %parallel_loop3A_435 = arith.remsi %parallel_loop3A_417, %parallel_loop3A_418 : i32
        %parallel_loop3A_436 = arith.constant 0 : i32
        %parallel_loop3A_437 = arith.cmpi ne, %parallel_loop3A_435, %parallel_loop3A_436 : i32
        %parallel_loop3A_438 = arith.andi %parallel_loop3A_434, %parallel_loop3A_437 : i1
        %parallel_loop3A_439 = arith.constant 1 : i32
        %parallel_loop3A_440 = arith.subi %parallel_loop3A_419, %parallel_loop3A_439 : i32
        %parallel_loop3A_441 = arith.select %parallel_loop3A_438, %parallel_loop3A_440, %parallel_loop3A_419 : i32
        %parallel_loop3A_442 = arith.constant 64 : i32
        %parallel_loop3A_443 = arith.constant 0 : i32
        %parallel_loop3A_444 = arith.cmpi eq, %parallel_loop3A_442, %parallel_loop3A_443 : i32
        %parallel_loop3A_445 = arith.constant 1 : i32
        %parallel_loop3A_446 = arith.select %parallel_loop3A_444, %parallel_loop3A_445, %parallel_loop3A_442 : i32
        %parallel_loop3A_447 = arith.remsi %parallel_loop3A_417, %parallel_loop3A_446 : i32
        %parallel_loop3A_448 = arith.constant 0 : i32
        %parallel_loop3A_449 = arith.cmpi ne, %parallel_loop3A_447, %parallel_loop3A_448 : i32
        %parallel_loop3A_450 = arith.constant 0 : i32
        %parallel_loop3A_451 = arith.cmpi slt, %parallel_loop3A_447, %parallel_loop3A_450 : i32
        %parallel_loop3A_452 = arith.constant 0 : i32
        %parallel_loop3A_453 = arith.cmpi slt, %parallel_loop3A_446, %parallel_loop3A_452 : i32
        %parallel_loop3A_454 = arith.xori %parallel_loop3A_451, %parallel_loop3A_453 : i1
        %parallel_loop3A_455 = arith.andi %parallel_loop3A_454, %parallel_loop3A_449 : i1
        %parallel_loop3A_456 = arith.addi %parallel_loop3A_447, %parallel_loop3A_446 : i32
        %parallel_loop3A_457 = arith.select %parallel_loop3A_455, %parallel_loop3A_456, %parallel_loop3A_447 : i32
        %parallel_loop3A_458 = arith.constant 16 : i32
        %parallel_loop3A_459 = arith.muli %parallel_loop3A_457, %parallel_loop3A_458 : i32
        %parallel_loop3A_460 = arith.index_cast %parallel_loop3A_441 : i32 to index
        %parallel_loop3A_461 = arith.index_cast %parallel_loop3A_459 : i32 to index
        %parallel_loop3A_462 = tpu.vector_load %arg11[%parallel_loop3A_460, %parallel_loop3A_461] {strides = array<i32>} : memref<8x1024xf32, #tpu.memory_space<vmem>>, vector<1x16xf32>,
        %parallel_loop3A_463 = vector.shape_cast %parallel_loop3A_462 : vector<1x16xf32> to vector<16xf32>
        %parallel_loop3A_464 = vector.broadcast %squeeze3A : f32 to vector<16xf32>
        %parallel_loop3A_465 = arith.mulf %parallel_loop3A_463, %parallel_loop3A_464 : vector<16xf32>
        %parallel_loop3A_466 = arith.index_cast %parallel_loop3A_441 : i32 to index
        %parallel_loop3A_467 = arith.index_cast %parallel_loop3A_459 : i32 to index
        %parallel_loop3A_468 = tpu.vector_load %arg11[%parallel_loop3A_466, %parallel_loop3A_467] {strides = array<i32>} : memref<8x1024xf32, #tpu.memory_space<vmem>>, vector<1x16xf32>,
        %parallel_loop3A_469 = vector.shape_cast %parallel_loop3A_468 : vector<1x16xf32> to vector<16xf32>
        %parallel_loop3A_470 = vector.shape_cast %parallel_loop3A_465 : vector<16xf32> to vector<1x16xf32>
        tpu.vector_store %arg11[%parallel_loop3A_466, %parallel_loop3A_467], %parallel_loop3A_470 {strides = array<i32>} : memref<8x1024xf32, #tpu.memory_space<vmem>>, vector<1x16xf32>,
      } {sc.loop_unroll_factor = 8 : i64, sc.parallel_access}
      %mul3A_303 = arith.constant 8 : i32
      %mul3A_304 = arith.muli %add3A_280, %mul3A_303 : i32
      %add3A_305 = arith.addi %mul3A_34, %mul3A_304 : i32
      %dma_start3A_306 = arith.constant 0 : i32
      %dma_start3A_307 = tpu.memref_slice %arg5[%select_n3A, %add3A_305, %dma_start3A_306] : memref<4x4096x1024xf32, #tpu.memory_space<hbm>> -> memref<1x8x1024xf32, #tpu.memory_space<hbm>>
      %dma_start3A_308 = tpu.memref_squeeze %dma_start3A_307 : memref<1x8x1024xf32, #tpu.memory_space<hbm>> -> memref<8x1024xf32, #tpu.memory_space<hbm>>
      %dma_start3A_309 = arith.constant 0 : i32
      %dma_start3A_310 = tpu.memref_slice %arg5[%select_n3A, %add3A_305, %dma_start3A_309] : memref<4x4096x1024xf32, #tpu.memory_space<hbm>> -> memref<1x8x1024xf32, #tpu.memory_space<hbm>>
      %dma_start3A_311 = tpu.memref_squeeze %dma_start3A_310 : memref<1x8x1024xf32, #tpu.memory_space<hbm>> -> memref<8x1024xf32, #tpu.memory_space<hbm>>
      tpu.enqueue_dma source(%arg11 : memref<8x1024xf32, #tpu.memory_space<vmem>>) target(%dma_start3A_311 : memref<8x1024xf32, #tpu.memory_space<hbm>>) target_semaphore(%arg27 : memref<!tpu.dma_semaphore, #tpu.memory_space<semaphore_mem>>)
      %mul3A_312 = arith.constant 8 : i32
      %mul3A_313 = arith.muli %add3A_140, %mul3A_312 : i32
      %add3A_314 = arith.constant 5 : i32
      %add3A_315 = arith.addi %mul3A_313, %add3A_314 : i32
      %ge3A_316 = arith.constant 1 : i32
      %ge3A_317 = arith.cmpi sge, %add3A_315, %ge3A_316 : i32
      %lt3A_318 = arith.constant 57 : i32
      %lt3A_319 = arith.cmpi slt, %add3A_315, %lt3A_318 : i32
      %and3A_320 = arith.andi %ge3A_317, %lt3A_319 : i1
      %convert_element_type3A_321 = arith.extui %and3A_320 : i1 to i32
      %cond3A_322 = arith.constant 0 : i32
      %cond3A_323 = arith.cmpi ne, %convert_element_type3A_321, %cond3A_322 : i32
      scf.if %cond3A_323 {
        %sub3A_417 = arith.constant 1 : i32
        %sub3A_418 = arith.subi %add3A_315, %sub3A_417 : i32
        %mul3A_419 = arith.constant 8 : i32
        %mul3A_420 = arith.muli %sub3A_418, %mul3A_419 : i32
        %add3A_421 = arith.addi %mul3A_34, %mul3A_420 : i32
        %dma_wait3A_422 = arith.constant 0 : i32
        %dma_wait3A_423 = tpu.memref_slice %arg5[%select_n3A, %add3A_421, %dma_wait3A_422] : memref<4x4096x1024xf32, #tpu.memory_space<hbm>> -> memref<1x8x1024xf32, #tpu.memory_space<hbm>>
        %dma_wait3A_424 = tpu.memref_squeeze %dma_wait3A_423 : memref<1x8x1024xf32, #tpu.memory_space<hbm>> -> memref<8x1024xf32, #tpu.memory_space<hbm>>
        %dma_wait3A_425 = arith.constant 0 : i32
        %dma_wait3A_426 = tpu.memref_slice %arg5[%select_n3A, %add3A_421, %dma_wait3A_425] : memref<4x4096x1024xf32, #tpu.memory_space<hbm>> -> memref<1x8x1024xf32, #tpu.memory_space<hbm>>
        %dma_wait3A_427 = tpu.memref_squeeze %dma_wait3A_426 : memref<1x8x1024xf32, #tpu.memory_space<hbm>> -> memref<8x1024xf32, #tpu.memory_space<hbm>>
        tpu.wait_dma2 semaphore(%arg27 : memref<!tpu.dma_semaphore, #tpu.memory_space<semaphore_mem>>) src(%arg11 : memref<8x1024xf32, #tpu.memory_space<vmem>>) dst(%dma_wait3A_427 : memref<8x1024xf32, #tpu.memory_space<hbm>>)
      } else {
      }
      %lt3A_324 = arith.constant 57 : i32
      %lt3A_325 = arith.cmpi slt, %add3A_315, %lt3A_324 : i32
      %convert_element_type3A_326 = arith.extui %lt3A_325 : i1 to i32
      %cond3A_327 = arith.constant 0 : i32
      %cond3A_328 = arith.cmpi ne, %convert_element_type3A_326, %cond3A_327 : i32
      scf.if %cond3A_328 {
        %add3A_417 = arith.constant 7 : i32
        %add3A_418 = arith.addi %add3A_315, %add3A_417 : i32
        %mul3A_419 = arith.constant 8 : i32
        %mul3A_420 = arith.muli %add3A_418, %mul3A_419 : i32
        %dma_start3A_421 = tpu.memref_slice %arg6[%mul3A_420] : memref<512xi32, #tpu.memory_space<vmem>> -> memref<8xi32, #tpu.memory_space<vmem>>
        %dma_start3A_422 = arith.constant 0 : i32
        %dma_start3A_423 = arith.constant 0 : i32
        %dma_start3A_424 = tpu.memref_slice %arg3[%dma_start3A_422, %dma_start3A_423] : memref<100000x1024xf32, #tpu.memory_space<hbm>> -> memref<100000x1024xf32, #tpu.memory_space<hbm>>
        tpu.enqueue_indirect_dma source(%dma_start3A_424 : memref<100000x1024xf32, #tpu.memory_space<hbm>>) target(%arg11 : memref<8x1024xf32, #tpu.memory_space<vmem>>) offsets(%dma_start3A_421 : memref<8xi32, #tpu.memory_space<vmem>>) semaphore(%arg19 : memref<!tpu.dma_semaphore, #tpu.memory_space<semaphore_mem>>)
      } else {
      }
      %mul3A_329 = arith.constant 8 : i32
      %mul3A_330 = arith.muli %add3A_315, %mul3A_329 : i32
      %dma_wait3A_331 = tpu.memref_slice %arg6[%mul3A_330] : memref<512xi32, #tpu.memory_space<vmem>> -> memref<8xi32, #tpu.memory_space<vmem>>
      %dma_wait3A_332 = arith.constant 0 : i32
      %dma_wait3A_333 = arith.constant 0 : i32
      %dma_wait3A_334 = tpu.memref_slice %arg3[%dma_wait3A_332, %dma_wait3A_333] : memref<100000x1024xf32, #tpu.memory_space<hbm>> -> memref<100000x1024xf32, #tpu.memory_space<hbm>>
      tpu.wait_indirect_dma semaphore(%arg20 : memref<!tpu.dma_semaphore, #tpu.memory_space<semaphore_mem>>) src(%dma_wait3A_334 : memref<100000x1024xf32, #tpu.memory_space<hbm>>) dst(%arg12 : memref<8x1024xf32, #tpu.memory_space<vmem>>)
      %parallel_loop3A_335 = arith.constant 0 : i32
      %parallel_loop3A_336 = arith.constant 512 : i32
      %parallel_loop3A_337 = arith.constant 1 : i32
      scf.for %parallel_loop3A_417 = %parallel_loop3A_335 to %parallel_loop3A_336 step %parallel_loop3A_337  : i32 {
        %parallel_loop3A_418 = arith.constant 64 : i32
        %parallel_loop3A_419 = arith.divsi %parallel_loop3A_417, %parallel_loop3A_418 : i32
        %parallel_loop3A_420 = arith.constant 0 : i32
        %parallel_loop3A_421 = arith.cmpi sgt, %parallel_loop3A_417, %parallel_loop3A_420 : i32
        %parallel_loop3A_422 = arith.extui %parallel_loop3A_421 : i1 to i32
        %parallel_loop3A_423 = arith.constant 0 : i32
        %parallel_loop3A_424 = arith.cmpi slt, %parallel_loop3A_417, %parallel_loop3A_423 : i32
        %parallel_loop3A_425 = arith.extui %parallel_loop3A_424 : i1 to i32
        %parallel_loop3A_426 = arith.subi %parallel_loop3A_422, %parallel_loop3A_425 : i32
        %parallel_loop3A_427 = arith.constant 0 : i32
        %parallel_loop3A_428 = arith.cmpi sgt, %parallel_loop3A_418, %parallel_loop3A_427 : i32
        %parallel_loop3A_429 = arith.extui %parallel_loop3A_428 : i1 to i32
        %parallel_loop3A_430 = arith.constant 0 : i32
        %parallel_loop3A_431 = arith.cmpi slt, %parallel_loop3A_418, %parallel_loop3A_430 : i32
        %parallel_loop3A_432 = arith.extui %parallel_loop3A_431 : i1 to i32
        %parallel_loop3A_433 = arith.subi %parallel_loop3A_429, %parallel_loop3A_432 : i32
        %parallel_loop3A_434 = arith.cmpi ne, %parallel_loop3A_426, %parallel_loop3A_433 : i32
        %parallel_loop3A_435 = arith.remsi %parallel_loop3A_417, %parallel_loop3A_418 : i32
        %parallel_loop3A_436 = arith.constant 0 : i32
        %parallel_loop3A_437 = arith.cmpi ne, %parallel_loop3A_435, %parallel_loop3A_436 : i32
        %parallel_loop3A_438 = arith.andi %parallel_loop3A_434, %parallel_loop3A_437 : i1
        %parallel_loop3A_439 = arith.constant 1 : i32
        %parallel_loop3A_440 = arith.subi %parallel_loop3A_419, %parallel_loop3A_439 : i32
        %parallel_loop3A_441 = arith.select %parallel_loop3A_438, %parallel_loop3A_440, %parallel_loop3A_419 : i32
        %parallel_loop3A_442 = arith.constant 64 : i32
        %parallel_loop3A_443 = arith.constant 0 : i32
        %parallel_loop3A_444 = arith.cmpi eq, %parallel_loop3A_442, %parallel_loop3A_443 : i32
        %parallel_loop3A_445 = arith.constant 1 : i32
        %parallel_loop3A_446 = arith.select %parallel_loop3A_444, %parallel_loop3A_445, %parallel_loop3A_442 : i32
        %parallel_loop3A_447 = arith.remsi %parallel_loop3A_417, %parallel_loop3A_446 : i32
        %parallel_loop3A_448 = arith.constant 0 : i32
        %parallel_loop3A_449 = arith.cmpi ne, %parallel_loop3A_447, %parallel_loop3A_448 : i32
        %parallel_loop3A_450 = arith.constant 0 : i32
        %parallel_loop3A_451 = arith.cmpi slt, %parallel_loop3A_447, %parallel_loop3A_450 : i32
        %parallel_loop3A_452 = arith.constant 0 : i32
        %parallel_loop3A_453 = arith.cmpi slt, %parallel_loop3A_446, %parallel_loop3A_452 : i32
        %parallel_loop3A_454 = arith.xori %parallel_loop3A_451, %parallel_loop3A_453 : i1
        %parallel_loop3A_455 = arith.andi %parallel_loop3A_454, %parallel_loop3A_449 : i1
        %parallel_loop3A_456 = arith.addi %parallel_loop3A_447, %parallel_loop3A_446 : i32
        %parallel_loop3A_457 = arith.select %parallel_loop3A_455, %parallel_loop3A_456, %parallel_loop3A_447 : i32
        %parallel_loop3A_458 = arith.constant 16 : i32
        %parallel_loop3A_459 = arith.muli %parallel_loop3A_457, %parallel_loop3A_458 : i32
        %parallel_loop3A_460 = arith.index_cast %parallel_loop3A_441 : i32 to index
        %parallel_loop3A_461 = arith.index_cast %parallel_loop3A_459 : i32 to index
        %parallel_loop3A_462 = tpu.vector_load %arg12[%parallel_loop3A_460, %parallel_loop3A_461] {strides = array<i32>} : memref<8x1024xf32, #tpu.memory_space<vmem>>, vector<1x16xf32>,
        %parallel_loop3A_463 = vector.shape_cast %parallel_loop3A_462 : vector<1x16xf32> to vector<16xf32>
        %parallel_loop3A_464 = vector.broadcast %squeeze3A : f32 to vector<16xf32>
        %parallel_loop3A_465 = arith.mulf %parallel_loop3A_463, %parallel_loop3A_464 : vector<16xf32>
        %parallel_loop3A_466 = arith.index_cast %parallel_loop3A_441 : i32 to index
        %parallel_loop3A_467 = arith.index_cast %parallel_loop3A_459 : i32 to index
        %parallel_loop3A_468 = tpu.vector_load %arg12[%parallel_loop3A_466, %parallel_loop3A_467] {strides = array<i32>} : memref<8x1024xf32, #tpu.memory_space<vmem>>, vector<1x16xf32>,
        %parallel_loop3A_469 = vector.shape_cast %parallel_loop3A_468 : vector<1x16xf32> to vector<16xf32>
        %parallel_loop3A_470 = vector.shape_cast %parallel_loop3A_465 : vector<16xf32> to vector<1x16xf32>
        tpu.vector_store %arg12[%parallel_loop3A_466, %parallel_loop3A_467], %parallel_loop3A_470 {strides = array<i32>} : memref<8x1024xf32, #tpu.memory_space<vmem>>, vector<1x16xf32>,
      } {sc.loop_unroll_factor = 8 : i64, sc.parallel_access}
      %mul3A_338 = arith.constant 8 : i32
      %mul3A_339 = arith.muli %add3A_315, %mul3A_338 : i32
      %add3A_340 = arith.addi %mul3A_34, %mul3A_339 : i32
      %dma_start3A_341 = arith.constant 0 : i32
      %dma_start3A_342 = tpu.memref_slice %arg5[%select_n3A, %add3A_340, %dma_start3A_341] : memref<4x4096x1024xf32, #tpu.memory_space<hbm>> -> memref<1x8x1024xf32, #tpu.memory_space<hbm>>
      %dma_start3A_343 = tpu.memref_squeeze %dma_start3A_342 : memref<1x8x1024xf32, #tpu.memory_space<hbm>> -> memref<8x1024xf32, #tpu.memory_space<hbm>>
      %dma_start3A_344 = arith.constant 0 : i32
      %dma_start3A_345 = tpu.memref_slice %arg5[%select_n3A, %add3A_340, %dma_start3A_344] : memref<4x4096x1024xf32, #tpu.memory_space<hbm>> -> memref<1x8x1024xf32, #tpu.memory_space<hbm>>
      %dma_start3A_346 = tpu.memref_squeeze %dma_start3A_345 : memref<1x8x1024xf32, #tpu.memory_space<hbm>> -> memref<8x1024xf32, #tpu.memory_space<hbm>>
      tpu.enqueue_dma source(%arg12 : memref<8x1024xf32, #tpu.memory_space<vmem>>) target(%dma_start3A_346 : memref<8x1024xf32, #tpu.memory_space<hbm>>) target_semaphore(%arg28 : memref<!tpu.dma_semaphore, #tpu.memory_space<semaphore_mem>>)
      %mul3A_347 = arith.constant 8 : i32
      %mul3A_348 = arith.muli %add3A_140, %mul3A_347 : i32
      %add3A_349 = arith.constant 6 : i32
      %add3A_350 = arith.addi %mul3A_348, %add3A_349 : i32
      %ge3A_351 = arith.constant 1 : i32
      %ge3A_352 = arith.cmpi sge, %add3A_350, %ge3A_351 : i32
      %lt3A_353 = arith.constant 57 : i32
      %lt3A_354 = arith.cmpi slt, %add3A_350, %lt3A_353 : i32
      %and3A_355 = arith.andi %ge3A_352, %lt3A_354 : i1
      %convert_element_type3A_356 = arith.extui %and3A_355 : i1 to i32
      %cond3A_357 = arith.constant 0 : i32
      %cond3A_358 = arith.cmpi ne, %convert_element_type3A_356, %cond3A_357 : i32
      scf.if %cond3A_358 {
        %sub3A_417 = arith.constant 1 : i32
        %sub3A_418 = arith.subi %add3A_350, %sub3A_417 : i32
        %mul3A_419 = arith.constant 8 : i32
        %mul3A_420 = arith.muli %sub3A_418, %mul3A_419 : i32
        %add3A_421 = arith.addi %mul3A_34, %mul3A_420 : i32
        %dma_wait3A_422 = arith.constant 0 : i32
        %dma_wait3A_423 = tpu.memref_slice %arg5[%select_n3A, %add3A_421, %dma_wait3A_422] : memref<4x4096x1024xf32, #tpu.memory_space<hbm>> -> memref<1x8x1024xf32, #tpu.memory_space<hbm>>
        %dma_wait3A_424 = tpu.memref_squeeze %dma_wait3A_423 : memref<1x8x1024xf32, #tpu.memory_space<hbm>> -> memref<8x1024xf32, #tpu.memory_space<hbm>>
        %dma_wait3A_425 = arith.constant 0 : i32
        %dma_wait3A_426 = tpu.memref_slice %arg5[%select_n3A, %add3A_421, %dma_wait3A_425] : memref<4x4096x1024xf32, #tpu.memory_space<hbm>> -> memref<1x8x1024xf32, #tpu.memory_space<hbm>>
        %dma_wait3A_427 = tpu.memref_squeeze %dma_wait3A_426 : memref<1x8x1024xf32, #tpu.memory_space<hbm>> -> memref<8x1024xf32, #tpu.memory_space<hbm>>
        tpu.wait_dma2 semaphore(%arg28 : memref<!tpu.dma_semaphore, #tpu.memory_space<semaphore_mem>>) src(%arg12 : memref<8x1024xf32, #tpu.memory_space<vmem>>) dst(%dma_wait3A_427 : memref<8x1024xf32, #tpu.memory_space<hbm>>)
      } else {
      }
      %lt3A_359 = arith.constant 57 : i32
      %lt3A_360 = arith.cmpi slt, %add3A_350, %lt3A_359 : i32
      %convert_element_type3A_361 = arith.extui %lt3A_360 : i1 to i32
      %cond3A_362 = arith.constant 0 : i32
      %cond3A_363 = arith.cmpi ne, %convert_element_type3A_361, %cond3A_362 : i32
      scf.if %cond3A_363 {
        %add3A_417 = arith.constant 7 : i32
        %add3A_418 = arith.addi %add3A_350, %add3A_417 : i32
        %mul3A_419 = arith.constant 8 : i32
        %mul3A_420 = arith.muli %add3A_418, %mul3A_419 : i32
        %dma_start3A_421 = tpu.memref_slice %arg6[%mul3A_420] : memref<512xi32, #tpu.memory_space<vmem>> -> memref<8xi32, #tpu.memory_space<vmem>>
        %dma_start3A_422 = arith.constant 0 : i32
        %dma_start3A_423 = arith.constant 0 : i32
        %dma_start3A_424 = tpu.memref_slice %arg3[%dma_start3A_422, %dma_start3A_423] : memref<100000x1024xf32, #tpu.memory_space<hbm>> -> memref<100000x1024xf32, #tpu.memory_space<hbm>>
        tpu.enqueue_indirect_dma source(%dma_start3A_424 : memref<100000x1024xf32, #tpu.memory_space<hbm>>) target(%arg12 : memref<8x1024xf32, #tpu.memory_space<vmem>>) offsets(%dma_start3A_421 : memref<8xi32, #tpu.memory_space<vmem>>) semaphore(%arg20 : memref<!tpu.dma_semaphore, #tpu.memory_space<semaphore_mem>>)
      } else {
      }
      %mul3A_364 = arith.constant 8 : i32
      %mul3A_365 = arith.muli %add3A_350, %mul3A_364 : i32
      %dma_wait3A_366 = tpu.memref_slice %arg6[%mul3A_365] : memref<512xi32, #tpu.memory_space<vmem>> -> memref<8xi32, #tpu.memory_space<vmem>>
      %dma_wait3A_367 = arith.constant 0 : i32
      %dma_wait3A_368 = arith.constant 0 : i32
      %dma_wait3A_369 = tpu.memref_slice %arg3[%dma_wait3A_367, %dma_wait3A_368] : memref<100000x1024xf32, #tpu.memory_space<hbm>> -> memref<100000x1024xf32, #tpu.memory_space<hbm>>
      tpu.wait_indirect_dma semaphore(%arg21 : memref<!tpu.dma_semaphore, #tpu.memory_space<semaphore_mem>>) src(%dma_wait3A_369 : memref<100000x1024xf32, #tpu.memory_space<hbm>>) dst(%arg13 : memref<8x1024xf32, #tpu.memory_space<vmem>>)
      %parallel_loop3A_370 = arith.constant 0 : i32
      %parallel_loop3A_371 = arith.constant 512 : i32
      %parallel_loop3A_372 = arith.constant 1 : i32
      scf.for %parallel_loop3A_417 = %parallel_loop3A_370 to %parallel_loop3A_371 step %parallel_loop3A_372  : i32 {
        %parallel_loop3A_418 = arith.constant 64 : i32
        %parallel_loop3A_419 = arith.divsi %parallel_loop3A_417, %parallel_loop3A_418 : i32
        %parallel_loop3A_420 = arith.constant 0 : i32
        %parallel_loop3A_421 = arith.cmpi sgt, %parallel_loop3A_417, %parallel_loop3A_420 : i32
        %parallel_loop3A_422 = arith.extui %parallel_loop3A_421 : i1 to i32
        %parallel_loop3A_423 = arith.constant 0 : i32
        %parallel_loop3A_424 = arith.cmpi slt, %parallel_loop3A_417, %parallel_loop3A_423 : i32
        %parallel_loop3A_425 = arith.extui %parallel_loop3A_424 : i1 to i32
        %parallel_loop3A_426 = arith.subi %parallel_loop3A_422, %parallel_loop3A_425 : i32
        %parallel_loop3A_427 = arith.constant 0 : i32
        %parallel_loop3A_428 = arith.cmpi sgt, %parallel_loop3A_418, %parallel_loop3A_427 : i32
        %parallel_loop3A_429 = arith.extui %parallel_loop3A_428 : i1 to i32
        %parallel_loop3A_430 = arith.constant 0 : i32
        %parallel_loop3A_431 = arith.cmpi slt, %parallel_loop3A_418, %parallel_loop3A_430 : i32
        %parallel_loop3A_432 = arith.extui %parallel_loop3A_431 : i1 to i32
        %parallel_loop3A_433 = arith.subi %parallel_loop3A_429, %parallel_loop3A_432 : i32
        %parallel_loop3A_434 = arith.cmpi ne, %parallel_loop3A_426, %parallel_loop3A_433 : i32
        %parallel_loop3A_435 = arith.remsi %parallel_loop3A_417, %parallel_loop3A_418 : i32
        %parallel_loop3A_436 = arith.constant 0 : i32
        %parallel_loop3A_437 = arith.cmpi ne, %parallel_loop3A_435, %parallel_loop3A_436 : i32
        %parallel_loop3A_438 = arith.andi %parallel_loop3A_434, %parallel_loop3A_437 : i1
        %parallel_loop3A_439 = arith.constant 1 : i32
        %parallel_loop3A_440 = arith.subi %parallel_loop3A_419, %parallel_loop3A_439 : i32
        %parallel_loop3A_441 = arith.select %parallel_loop3A_438, %parallel_loop3A_440, %parallel_loop3A_419 : i32
        %parallel_loop3A_442 = arith.constant 64 : i32
        %parallel_loop3A_443 = arith.constant 0 : i32
        %parallel_loop3A_444 = arith.cmpi eq, %parallel_loop3A_442, %parallel_loop3A_443 : i32
        %parallel_loop3A_445 = arith.constant 1 : i32
        %parallel_loop3A_446 = arith.select %parallel_loop3A_444, %parallel_loop3A_445, %parallel_loop3A_442 : i32
        %parallel_loop3A_447 = arith.remsi %parallel_loop3A_417, %parallel_loop3A_446 : i32
        %parallel_loop3A_448 = arith.constant 0 : i32
        %parallel_loop3A_449 = arith.cmpi ne, %parallel_loop3A_447, %parallel_loop3A_448 : i32
        %parallel_loop3A_450 = arith.constant 0 : i32
        %parallel_loop3A_451 = arith.cmpi slt, %parallel_loop3A_447, %parallel_loop3A_450 : i32
        %parallel_loop3A_452 = arith.constant 0 : i32
        %parallel_loop3A_453 = arith.cmpi slt, %parallel_loop3A_446, %parallel_loop3A_452 : i32
        %parallel_loop3A_454 = arith.xori %parallel_loop3A_451, %parallel_loop3A_453 : i1
        %parallel_loop3A_455 = arith.andi %parallel_loop3A_454, %parallel_loop3A_449 : i1
        %parallel_loop3A_456 = arith.addi %parallel_loop3A_447, %parallel_loop3A_446 : i32
        %parallel_loop3A_457 = arith.select %parallel_loop3A_455, %parallel_loop3A_456, %parallel_loop3A_447 : i32
        %parallel_loop3A_458 = arith.constant 16 : i32
        %parallel_loop3A_459 = arith.muli %parallel_loop3A_457, %parallel_loop3A_458 : i32
        %parallel_loop3A_460 = arith.index_cast %parallel_loop3A_441 : i32 to index
        %parallel_loop3A_461 = arith.index_cast %parallel_loop3A_459 : i32 to index
        %parallel_loop3A_462 = tpu.vector_load %arg13[%parallel_loop3A_460, %parallel_loop3A_461] {strides = array<i32>} : memref<8x1024xf32, #tpu.memory_space<vmem>>, vector<1x16xf32>,
        %parallel_loop3A_463 = vector.shape_cast %parallel_loop3A_462 : vector<1x16xf32> to vector<16xf32>
        %parallel_loop3A_464 = vector.broadcast %squeeze3A : f32 to vector<16xf32>
        %parallel_loop3A_465 = arith.mulf %parallel_loop3A_463, %parallel_loop3A_464 : vector<16xf32>
        %parallel_loop3A_466 = arith.index_cast %parallel_loop3A_441 : i32 to index
        %parallel_loop3A_467 = arith.index_cast %parallel_loop3A_459 : i32 to index
        %parallel_loop3A_468 = tpu.vector_load %arg13[%parallel_loop3A_466, %parallel_loop3A_467] {strides = array<i32>} : memref<8x1024xf32, #tpu.memory_space<vmem>>, vector<1x16xf32>,
        %parallel_loop3A_469 = vector.shape_cast %parallel_loop3A_468 : vector<1x16xf32> to vector<16xf32>
        %parallel_loop3A_470 = vector.shape_cast %parallel_loop3A_465 : vector<16xf32> to vector<1x16xf32>
        tpu.vector_store %arg13[%parallel_loop3A_466, %parallel_loop3A_467], %parallel_loop3A_470 {strides = array<i32>} : memref<8x1024xf32, #tpu.memory_space<vmem>>, vector<1x16xf32>,
      } {sc.loop_unroll_factor = 8 : i64, sc.parallel_access}
      %mul3A_373 = arith.constant 8 : i32
      %mul3A_374 = arith.muli %add3A_350, %mul3A_373 : i32
      %add3A_375 = arith.addi %mul3A_34, %mul3A_374 : i32
      %dma_start3A_376 = arith.constant 0 : i32
      %dma_start3A_377 = tpu.memref_slice %arg5[%select_n3A, %add3A_375, %dma_start3A_376] : memref<4x4096x1024xf32, #tpu.memory_space<hbm>> -> memref<1x8x1024xf32, #tpu.memory_space<hbm>>
      %dma_start3A_378 = tpu.memref_squeeze %dma_start3A_377 : memref<1x8x1024xf32, #tpu.memory_space<hbm>> -> memref<8x1024xf32, #tpu.memory_space<hbm>>
      %dma_start3A_379 = arith.constant 0 : i32
      %dma_start3A_380 = tpu.memref_slice %arg5[%select_n3A, %add3A_375, %dma_start3A_379] : memref<4x4096x1024xf32, #tpu.memory_space<hbm>> -> memref<1x8x1024xf32, #tpu.memory_space<hbm>>
      %dma_start3A_381 = tpu.memref_squeeze %dma_start3A_380 : memref<1x8x1024xf32, #tpu.memory_space<hbm>> -> memref<8x1024xf32, #tpu.memory_space<hbm>>
      tpu.enqueue_dma source(%arg13 : memref<8x1024xf32, #tpu.memory_space<vmem>>) target(%dma_start3A_381 : memref<8x1024xf32, #tpu.memory_space<hbm>>) target_semaphore(%arg29 : memref<!tpu.dma_semaphore, #tpu.memory_space<semaphore_mem>>)
      %mul3A_382 = arith.constant 8 : i32
      %mul3A_383 = arith.muli %add3A_140, %mul3A_382 : i32
      %add3A_384 = arith.constant 7 : i32
      %add3A_385 = arith.addi %mul3A_383, %add3A_384 : i32
      %ge3A_386 = arith.constant 1 : i32
      %ge3A_387 = arith.cmpi sge, %add3A_385, %ge3A_386 : i32
      %lt3A_388 = arith.constant 57 : i32
      %lt3A_389 = arith.cmpi slt, %add3A_385, %lt3A_388 : i32
      %and3A_390 = arith.andi %ge3A_387, %lt3A_389 : i1
      %convert_element_type3A_391 = arith.extui %and3A_390 : i1 to i32
      %cond3A_392 = arith.constant 0 : i32
      %cond3A_393 = arith.cmpi ne, %convert_element_type3A_391, %cond3A_392 : i32
      scf.if %cond3A_393 {
        %sub3A_417 = arith.constant 1 : i32
        %sub3A_418 = arith.subi %add3A_385, %sub3A_417 : i32
        %mul3A_419 = arith.constant 8 : i32
        %mul3A_420 = arith.muli %sub3A_418, %mul3A_419 : i32
        %add3A_421 = arith.addi %mul3A_34, %mul3A_420 : i32
        %dma_wait3A_422 = arith.constant 0 : i32
        %dma_wait3A_423 = tpu.memref_slice %arg5[%select_n3A, %add3A_421, %dma_wait3A_422] : memref<4x4096x1024xf32, #tpu.memory_space<hbm>> -> memref<1x8x1024xf32, #tpu.memory_space<hbm>>
        %dma_wait3A_424 = tpu.memref_squeeze %dma_wait3A_423 : memref<1x8x1024xf32, #tpu.memory_space<hbm>> -> memref<8x1024xf32, #tpu.memory_space<hbm>>
        %dma_wait3A_425 = arith.constant 0 : i32
        %dma_wait3A_426 = tpu.memref_slice %arg5[%select_n3A, %add3A_421, %dma_wait3A_425] : memref<4x4096x1024xf32, #tpu.memory_space<hbm>> -> memref<1x8x1024xf32, #tpu.memory_space<hbm>>
        %dma_wait3A_427 = tpu.memref_squeeze %dma_wait3A_426 : memref<1x8x1024xf32, #tpu.memory_space<hbm>> -> memref<8x1024xf32, #tpu.memory_space<hbm>>
        tpu.wait_dma2 semaphore(%arg29 : memref<!tpu.dma_semaphore, #tpu.memory_space<semaphore_mem>>) src(%arg13 : memref<8x1024xf32, #tpu.memory_space<vmem>>) dst(%dma_wait3A_427 : memref<8x1024xf32, #tpu.memory_space<hbm>>)
      } else {
      }
      %lt3A_394 = arith.constant 57 : i32
      %lt3A_395 = arith.cmpi slt, %add3A_385, %lt3A_394 : i32
      %convert_element_type3A_396 = arith.extui %lt3A_395 : i1 to i32
      %cond3A_397 = arith.constant 0 : i32
      %cond3A_398 = arith.cmpi ne, %convert_element_type3A_396, %cond3A_397 : i32
      scf.if %cond3A_398 {
        %add3A_417 = arith.constant 7 : i32
        %add3A_418 = arith.addi %add3A_385, %add3A_417 : i32
        %mul3A_419 = arith.constant 8 : i32
        %mul3A_420 = arith.muli %add3A_418, %mul3A_419 : i32
        %dma_start3A_421 = tpu.memref_slice %arg6[%mul3A_420] : memref<512xi32, #tpu.memory_space<vmem>> -> memref<8xi32, #tpu.memory_space<vmem>>
        %dma_start3A_422 = arith.constant 0 : i32
        %dma_start3A_423 = arith.constant 0 : i32
        %dma_start3A_424 = tpu.memref_slice %arg3[%dma_start3A_422, %dma_start3A_423] : memref<100000x1024xf32, #tpu.memory_space<hbm>> -> memref<100000x1024xf32, #tpu.memory_space<hbm>>
        tpu.enqueue_indirect_dma source(%dma_start3A_424 : memref<100000x1024xf32, #tpu.memory_space<hbm>>) target(%arg13 : memref<8x1024xf32, #tpu.memory_space<vmem>>) offsets(%dma_start3A_421 : memref<8xi32, #tpu.memory_space<vmem>>) semaphore(%arg21 : memref<!tpu.dma_semaphore, #tpu.memory_space<semaphore_mem>>)
      } else {
      }
      %mul3A_399 = arith.constant 8 : i32
      %mul3A_400 = arith.muli %add3A_385, %mul3A_399 : i32
      %dma_wait3A_401 = tpu.memref_slice %arg6[%mul3A_400] : memref<512xi32, #tpu.memory_space<vmem>> -> memref<8xi32, #tpu.memory_space<vmem>>
      %dma_wait3A_402 = arith.constant 0 : i32
      %dma_wait3A_403 = arith.constant 0 : i32
      %dma_wait3A_404 = tpu.memref_slice %arg3[%dma_wait3A_402, %dma_wait3A_403] : memref<100000x1024xf32, #tpu.memory_space<hbm>> -> memref<100000x1024xf32, #tpu.memory_space<hbm>>
      tpu.wait_indirect_dma semaphore(%arg22 : memref<!tpu.dma_semaphore, #tpu.memory_space<semaphore_mem>>) src(%dma_wait3A_404 : memref<100000x1024xf32, #tpu.memory_space<hbm>>) dst(%arg14 : memref<8x1024xf32, #tpu.memory_space<vmem>>)
      %parallel_loop3A_405 = arith.constant 0 : i32
      %parallel_loop3A_406 = arith.constant 512 : i32
      %parallel_loop3A_407 = arith.constant 1 : i32
      scf.for %parallel_loop3A_417 = %parallel_loop3A_405 to %parallel_loop3A_406 step %parallel_loop3A_407  : i32 {
        %parallel_loop3A_418 = arith.constant 64 : i32
        %parallel_loop3A_419 = arith.divsi %parallel_loop3A_417, %parallel_loop3A_418 : i32
        %parallel_loop3A_420 = arith.constant 0 : i32
        %parallel_loop3A_421 = arith.cmpi sgt, %parallel_loop3A_417, %parallel_loop3A_420 : i32
        %parallel_loop3A_422 = arith.extui %parallel_loop3A_421 : i1 to i32
        %parallel_loop3A_423 = arith.constant 0 : i32
        %parallel_loop3A_424 = arith.cmpi slt, %parallel_loop3A_417, %parallel_loop3A_423 : i32
        %parallel_loop3A_425 = arith.extui %parallel_loop3A_424 : i1 to i32
        %parallel_loop3A_426 = arith.subi %parallel_loop3A_422, %parallel_loop3A_425 : i32
        %parallel_loop3A_427 = arith.constant 0 : i32
        %parallel_loop3A_428 = arith.cmpi sgt, %parallel_loop3A_418, %parallel_loop3A_427 : i32
        %parallel_loop3A_429 = arith.extui %parallel_loop3A_428 : i1 to i32
        %parallel_loop3A_430 = arith.constant 0 : i32
        %parallel_loop3A_431 = arith.cmpi slt, %parallel_loop3A_418, %parallel_loop3A_430 : i32
        %parallel_loop3A_432 = arith.extui %parallel_loop3A_431 : i1 to i32
        %parallel_loop3A_433 = arith.subi %parallel_loop3A_429, %parallel_loop3A_432 : i32
        %parallel_loop3A_434 = arith.cmpi ne, %parallel_loop3A_426, %parallel_loop3A_433 : i32
        %parallel_loop3A_435 = arith.remsi %parallel_loop3A_417, %parallel_loop3A_418 : i32
        %parallel_loop3A_436 = arith.constant 0 : i32
        %parallel_loop3A_437 = arith.cmpi ne, %parallel_loop3A_435, %parallel_loop3A_436 : i32
        %parallel_loop3A_438 = arith.andi %parallel_loop3A_434, %parallel_loop3A_437 : i1
        %parallel_loop3A_439 = arith.constant 1 : i32
        %parallel_loop3A_440 = arith.subi %parallel_loop3A_419, %parallel_loop3A_439 : i32
        %parallel_loop3A_441 = arith.select %parallel_loop3A_438, %parallel_loop3A_440, %parallel_loop3A_419 : i32
        %parallel_loop3A_442 = arith.constant 64 : i32
        %parallel_loop3A_443 = arith.constant 0 : i32
        %parallel_loop3A_444 = arith.cmpi eq, %parallel_loop3A_442, %parallel_loop3A_443 : i32
        %parallel_loop3A_445 = arith.constant 1 : i32
        %parallel_loop3A_446 = arith.select %parallel_loop3A_444, %parallel_loop3A_445, %parallel_loop3A_442 : i32
        %parallel_loop3A_447 = arith.remsi %parallel_loop3A_417, %parallel_loop3A_446 : i32
        %parallel_loop3A_448 = arith.constant 0 : i32
        %parallel_loop3A_449 = arith.cmpi ne, %parallel_loop3A_447, %parallel_loop3A_448 : i32
        %parallel_loop3A_450 = arith.constant 0 : i32
        %parallel_loop3A_451 = arith.cmpi slt, %parallel_loop3A_447, %parallel_loop3A_450 : i32
        %parallel_loop3A_452 = arith.constant 0 : i32
        %parallel_loop3A_453 = arith.cmpi slt, %parallel_loop3A_446, %parallel_loop3A_452 : i32
        %parallel_loop3A_454 = arith.xori %parallel_loop3A_451, %parallel_loop3A_453 : i1
        %parallel_loop3A_455 = arith.andi %parallel_loop3A_454, %parallel_loop3A_449 : i1
        %parallel_loop3A_456 = arith.addi %parallel_loop3A_447, %parallel_loop3A_446 : i32
        %parallel_loop3A_457 = arith.select %parallel_loop3A_455, %parallel_loop3A_456, %parallel_loop3A_447 : i32
        %parallel_loop3A_458 = arith.constant 16 : i32
        %parallel_loop3A_459 = arith.muli %parallel_loop3A_457, %parallel_loop3A_458 : i32
        %parallel_loop3A_460 = arith.index_cast %parallel_loop3A_441 : i32 to index
        %parallel_loop3A_461 = arith.index_cast %parallel_loop3A_459 : i32 to index
        %parallel_loop3A_462 = tpu.vector_load %arg14[%parallel_loop3A_460, %parallel_loop3A_461] {strides = array<i32>} : memref<8x1024xf32, #tpu.memory_space<vmem>>, vector<1x16xf32>,
        %parallel_loop3A_463 = vector.shape_cast %parallel_loop3A_462 : vector<1x16xf32> to vector<16xf32>
        %parallel_loop3A_464 = vector.broadcast %squeeze3A : f32 to vector<16xf32>
        %parallel_loop3A_465 = arith.mulf %parallel_loop3A_463, %parallel_loop3A_464 : vector<16xf32>
        %parallel_loop3A_466 = arith.index_cast %parallel_loop3A_441 : i32 to index
        %parallel_loop3A_467 = arith.index_cast %parallel_loop3A_459 : i32 to index
        %parallel_loop3A_468 = tpu.vector_load %arg14[%parallel_loop3A_466, %parallel_loop3A_467] {strides = array<i32>} : memref<8x1024xf32, #tpu.memory_space<vmem>>, vector<1x16xf32>,
        %parallel_loop3A_469 = vector.shape_cast %parallel_loop3A_468 : vector<1x16xf32> to vector<16xf32>
        %parallel_loop3A_470 = vector.shape_cast %parallel_loop3A_465 : vector<16xf32> to vector<1x16xf32>
        tpu.vector_store %arg14[%parallel_loop3A_466, %parallel_loop3A_467], %parallel_loop3A_470 {strides = array<i32>} : memref<8x1024xf32, #tpu.memory_space<vmem>>, vector<1x16xf32>,
      } {sc.loop_unroll_factor = 8 : i64, sc.parallel_access}
      %mul3A_408 = arith.constant 8 : i32
      %mul3A_409 = arith.muli %add3A_385, %mul3A_408 : i32
      %add3A_410 = arith.addi %mul3A_34, %mul3A_409 : i32
      %dma_start3A_411 = arith.constant 0 : i32
      %dma_start3A_412 = tpu.memref_slice %arg5[%select_n3A, %add3A_410, %dma_start3A_411] : memref<4x4096x1024xf32, #tpu.memory_space<hbm>> -> memref<1x8x1024xf32, #tpu.memory_space<hbm>>
      %dma_start3A_413 = tpu.memref_squeeze %dma_start3A_412 : memref<1x8x1024xf32, #tpu.memory_space<hbm>> -> memref<8x1024xf32, #tpu.memory_space<hbm>>
      %dma_start3A_414 = arith.constant 0 : i32
      %dma_start3A_415 = tpu.memref_slice %arg5[%select_n3A, %add3A_410, %dma_start3A_414] : memref<4x4096x1024xf32, #tpu.memory_space<hbm>> -> memref<1x8x1024xf32, #tpu.memory_space<hbm>>
      %dma_start3A_416 = tpu.memref_squeeze %dma_start3A_415 : memref<1x8x1024xf32, #tpu.memory_space<hbm>> -> memref<8x1024xf32, #tpu.memory_space<hbm>>
      tpu.enqueue_dma source(%arg14 : memref<8x1024xf32, #tpu.memory_space<vmem>>) target(%dma_start3A_416 : memref<8x1024xf32, #tpu.memory_space<hbm>>) target_semaphore(%arg30 : memref<!tpu.dma_semaphore, #tpu.memory_space<semaphore_mem>>)
    }
    %scan3A_72 = arith.constant 8 : i32
    %add3A_73 = arith.constant 448 : i32
    %add3A_74 = arith.addi %mul3A_34, %add3A_73 : i32
    %dma_wait3A = arith.constant 0 : i32
    %dma_wait3A_75 = tpu.memref_slice %arg5[%select_n3A, %add3A_74, %dma_wait3A] : memref<4x4096x1024xf32, #tpu.memory_space<hbm>> -> memref<1x8x1024xf32, #tpu.memory_space<hbm>>
    %dma_wait3A_76 = tpu.memref_squeeze %dma_wait3A_75 : memref<1x8x1024xf32, #tpu.memory_space<hbm>> -> memref<8x1024xf32, #tpu.memory_space<hbm>>
    %dma_wait3A_77 = arith.constant 0 : i32
    %dma_wait3A_78 = tpu.memref_slice %arg5[%select_n3A, %add3A_74, %dma_wait3A_77] : memref<4x4096x1024xf32, #tpu.memory_space<hbm>> -> memref<1x8x1024xf32, #tpu.memory_space<hbm>>
    %dma_wait3A_79 = tpu.memref_squeeze %dma_wait3A_78 : memref<1x8x1024xf32, #tpu.memory_space<hbm>> -> memref<8x1024xf32, #tpu.memory_space<hbm>>
    tpu.wait_dma2 semaphore(%arg23 : memref<!tpu.dma_semaphore, #tpu.memory_space<semaphore_mem>>) src(%arg7 : memref<8x1024xf32, #tpu.memory_space<vmem>>) dst(%dma_wait3A_79 : memref<8x1024xf32, #tpu.memory_space<hbm>>)
    %add3A_80 = arith.constant 456 : i32
    %add3A_81 = arith.addi %mul3A_34, %add3A_80 : i32
    %dma_wait3A_82 = arith.constant 0 : i32
    %dma_wait3A_83 = tpu.memref_slice %arg5[%select_n3A, %add3A_81, %dma_wait3A_82] : memref<4x4096x1024xf32, #tpu.memory_space<hbm>> -> memref<1x8x1024xf32, #tpu.memory_space<hbm>>
    %dma_wait3A_84 = tpu.memref_squeeze %dma_wait3A_83 : memref<1x8x1024xf32, #tpu.memory_space<hbm>> -> memref<8x1024xf32, #tpu.memory_space<hbm>>
    %dma_wait3A_85 = arith.constant 0 : i32
    %dma_wait3A_86 = tpu.memref_slice %arg5[%select_n3A, %add3A_81, %dma_wait3A_85] : memref<4x4096x1024xf32, #tpu.memory_space<hbm>> -> memref<1x8x1024xf32, #tpu.memory_space<hbm>>
    %dma_wait3A_87 = tpu.memref_squeeze %dma_wait3A_86 : memref<1x8x1024xf32, #tpu.memory_space<hbm>> -> memref<8x1024xf32, #tpu.memory_space<hbm>>
    tpu.wait_dma2 semaphore(%arg24 : memref<!tpu.dma_semaphore, #tpu.memory_space<semaphore_mem>>) src(%arg8 : memref<8x1024xf32, #tpu.memory_space<vmem>>) dst(%dma_wait3A_87 : memref<8x1024xf32, #tpu.memory_space<hbm>>)
    %add3A_88 = arith.constant 464 : i32
    %add3A_89 = arith.addi %mul3A_34, %add3A_88 : i32
    %dma_wait3A_90 = arith.constant 0 : i32
    %dma_wait3A_91 = tpu.memref_slice %arg5[%select_n3A, %add3A_89, %dma_wait3A_90] : memref<4x4096x1024xf32, #tpu.memory_space<hbm>> -> memref<1x8x1024xf32, #tpu.memory_space<hbm>>
    %dma_wait3A_92 = tpu.memref_squeeze %dma_wait3A_91 : memref<1x8x1024xf32, #tpu.memory_space<hbm>> -> memref<8x1024xf32, #tpu.memory_space<hbm>>
    %dma_wait3A_93 = arith.constant 0 : i32
    %dma_wait3A_94 = tpu.memref_slice %arg5[%select_n3A, %add3A_89, %dma_wait3A_93] : memref<4x4096x1024xf32, #tpu.memory_space<hbm>> -> memref<1x8x1024xf32, #tpu.memory_space<hbm>>
    %dma_wait3A_95 = tpu.memref_squeeze %dma_wait3A_94 : memref<1x8x1024xf32, #tpu.memory_space<hbm>> -> memref<8x1024xf32, #tpu.memory_space<hbm>>
    tpu.wait_dma2 semaphore(%arg25 : memref<!tpu.dma_semaphore, #tpu.memory_space<semaphore_mem>>) src(%arg9 : memref<8x1024xf32, #tpu.memory_space<vmem>>) dst(%dma_wait3A_95 : memref<8x1024xf32, #tpu.memory_space<hbm>>)
    %add3A_96 = arith.constant 472 : i32
    %add3A_97 = arith.addi %mul3A_34, %add3A_96 : i32
    %dma_wait3A_98 = arith.constant 0 : i32
    %dma_wait3A_99 = tpu.memref_slice %arg5[%select_n3A, %add3A_97, %dma_wait3A_98] : memref<4x4096x1024xf32, #tpu.memory_space<hbm>> -> memref<1x8x1024xf32, #tpu.memory_space<hbm>>
    %dma_wait3A_100 = tpu.memref_squeeze %dma_wait3A_99 : memref<1x8x1024xf32, #tpu.memory_space<hbm>> -> memref<8x1024xf32, #tpu.memory_space<hbm>>
    %dma_wait3A_101 = arith.constant 0 : i32
    %dma_wait3A_102 = tpu.memref_slice %arg5[%select_n3A, %add3A_97, %dma_wait3A_101] : memref<4x4096x1024xf32, #tpu.memory_space<hbm>> -> memref<1x8x1024xf32, #tpu.memory_space<hbm>>
    %dma_wait3A_103 = tpu.memref_squeeze %dma_wait3A_102 : memref<1x8x1024xf32, #tpu.memory_space<hbm>> -> memref<8x1024xf32, #tpu.memory_space<hbm>>
    tpu.wait_dma2 semaphore(%arg26 : memref<!tpu.dma_semaphore, #tpu.memory_space<semaphore_mem>>) src(%arg10 : memref<8x1024xf32, #tpu.memory_space<vmem>>) dst(%dma_wait3A_103 : memref<8x1024xf32, #tpu.memory_space<hbm>>)
    %add3A_104 = arith.constant 480 : i32
    %add3A_105 = arith.addi %mul3A_34, %add3A_104 : i32
    %dma_wait3A_106 = arith.constant 0 : i32
    %dma_wait3A_107 = tpu.memref_slice %arg5[%select_n3A, %add3A_105, %dma_wait3A_106] : memref<4x4096x1024xf32, #tpu.memory_space<hbm>> -> memref<1x8x1024xf32, #tpu.memory_space<hbm>>
    %dma_wait3A_108 = tpu.memref_squeeze %dma_wait3A_107 : memref<1x8x1024xf32, #tpu.memory_space<hbm>> -> memref<8x1024xf32, #tpu.memory_space<hbm>>
    %dma_wait3A_109 = arith.constant 0 : i32
    %dma_wait3A_110 = tpu.memref_slice %arg5[%select_n3A, %add3A_105, %dma_wait3A_109] : memref<4x4096x1024xf32, #tpu.memory_space<hbm>> -> memref<1x8x1024xf32, #tpu.memory_space<hbm>>
    %dma_wait3A_111 = tpu.memref_squeeze %dma_wait3A_110 : memref<1x8x1024xf32, #tpu.memory_space<hbm>> -> memref<8x1024xf32, #tpu.memory_space<hbm>>
    tpu.wait_dma2 semaphore(%arg27 : memref<!tpu.dma_semaphore, #tpu.memory_space<semaphore_mem>>) src(%arg11 : memref<8x1024xf32, #tpu.memory_space<vmem>>) dst(%dma_wait3A_111 : memref<8x1024xf32, #tpu.memory_space<hbm>>)
    %add3A_112 = arith.constant 488 : i32
    %add3A_113 = arith.addi %mul3A_34, %add3A_112 : i32
    %dma_wait3A_114 = arith.constant 0 : i32
    %dma_wait3A_115 = tpu.memref_slice %arg5[%select_n3A, %add3A_113, %dma_wait3A_114] : memref<4x4096x1024xf32, #tpu.memory_space<hbm>> -> memref<1x8x1024xf32, #tpu.memory_space<hbm>>
    %dma_wait3A_116 = tpu.memref_squeeze %dma_wait3A_115 : memref<1x8x1024xf32, #tpu.memory_space<hbm>> -> memref<8x1024xf32, #tpu.memory_space<hbm>>
    %dma_wait3A_117 = arith.constant 0 : i32
    %dma_wait3A_118 = tpu.memref_slice %arg5[%select_n3A, %add3A_113, %dma_wait3A_117] : memref<4x4096x1024xf32, #tpu.memory_space<hbm>> -> memref<1x8x1024xf32, #tpu.memory_space<hbm>>
    %dma_wait3A_119 = tpu.memref_squeeze %dma_wait3A_118 : memref<1x8x1024xf32, #tpu.memory_space<hbm>> -> memref<8x1024xf32, #tpu.memory_space<hbm>>
    tpu.wait_dma2 semaphore(%arg28 : memref<!tpu.dma_semaphore, #tpu.memory_space<semaphore_mem>>) src(%arg12 : memref<8x1024xf32, #tpu.memory_space<vmem>>) dst(%dma_wait3A_119 : memref<8x1024xf32, #tpu.memory_space<hbm>>)
    %add3A_120 = arith.constant 496 : i32
    %add3A_121 = arith.addi %mul3A_34, %add3A_120 : i32
    %dma_wait3A_122 = arith.constant 0 : i32
    %dma_wait3A_123 = tpu.memref_slice %arg5[%select_n3A, %add3A_121, %dma_wait3A_122] : memref<4x4096x1024xf32, #tpu.memory_space<hbm>> -> memref<1x8x1024xf32, #tpu.memory_space<hbm>>
    %dma_wait3A_124 = tpu.memref_squeeze %dma_wait3A_123 : memref<1x8x1024xf32, #tpu.memory_space<hbm>> -> memref<8x1024xf32, #tpu.memory_space<hbm>>
    %dma_wait3A_125 = arith.constant 0 : i32
    %dma_wait3A_126 = tpu.memref_slice %arg5[%select_n3A, %add3A_121, %dma_wait3A_125] : memref<4x4096x1024xf32, #tpu.memory_space<hbm>> -> memref<1x8x1024xf32, #tpu.memory_space<hbm>>
    %dma_wait3A_127 = tpu.memref_squeeze %dma_wait3A_126 : memref<1x8x1024xf32, #tpu.memory_space<hbm>> -> memref<8x1024xf32, #tpu.memory_space<hbm>>
    tpu.wait_dma2 semaphore(%arg29 : memref<!tpu.dma_semaphore, #tpu.memory_space<semaphore_mem>>) src(%arg13 : memref<8x1024xf32, #tpu.memory_space<vmem>>) dst(%dma_wait3A_127 : memref<8x1024xf32, #tpu.memory_space<hbm>>)
    %add3A_128 = arith.constant 504 : i32
    %add3A_129 = arith.addi %mul3A_34, %add3A_128 : i32
    %dma_wait3A_130 = arith.constant 0 : i32
    %dma_wait3A_131 = tpu.memref_slice %arg5[%select_n3A, %add3A_129, %dma_wait3A_130] : memref<4x4096x1024xf32, #tpu.memory_space<hbm>> -> memref<1x8x1024xf32, #tpu.memory_space<hbm>>
    %dma_wait3A_132 = tpu.memref_squeeze %dma_wait3A_131 : memref<1x8x1024xf32, #tpu.memory_space<hbm>> -> memref<8x1024xf32, #tpu.memory_space<hbm>>
    %dma_wait3A_133 = arith.constant 0 : i32
    %dma_wait3A_134 = tpu.memref_slice %arg5[%select_n3A, %add3A_129, %dma_wait3A_133] : memref<4x4096x1024xf32, #tpu.memory_space<hbm>> -> memref<1x8x1024xf32, #tpu.memory_space<hbm>>
    %dma_wait3A_135 = tpu.memref_squeeze %dma_wait3A_134 : memref<1x8x1024xf32, #tpu.memory_space<hbm>> -> memref<8x1024xf32, #tpu.memory_space<hbm>>
    tpu.wait_dma2 semaphore(%arg30 : memref<!tpu.dma_semaphore, #tpu.memory_space<semaphore_mem>>) src(%arg14 : memref<8x1024xf32, #tpu.memory_space<vmem>>) dst(%dma_wait3A_135 : memref<8x1024xf32, #tpu.memory_space<hbm>>)
    return
  }
}

</mosaic_0001>

<sc_bundles>
// kernel: kernel.3.cloned.1.call-start
scs
__scs_entry_jumppad:
0x0: {  	(pc) =	sbr.rel $0x88, $3  }
0x1: {  	(tag) =	ssettag $0x0;
	lr =	simm.s32 $0x1  }
0x2: {  	[smem:$0x3F9F] =	sst lr;
	_ =	strace $0xD0000000  }
0x3: {  	_ = 	snop  }
0x4: {  	_ = 	snop  }
0x5: {  	_ = 	snop  }
0x6: {  	_ = 	snop  }
0x7: {  	_ = 	snop  }
__scs_overlays_trampoline_lowered:
0x8: {  	[smem:$0x3FAE] =	sst s0  }
0x9: {  	[smem:$0x3FAF] =	sst s1  }
0xa: {  	[smem:$0x3FB0] =	sst s2  }
0xb: {  	[smem:$0x3FB1] =	sst s3  }
0xc: {  	[smem:$0x3FB2] =	sst s4  }
0xd: {  	[smem:$0x3FB3] =	sst s5  }
0xe: {  	[smem:$0x3FB4] =	sst s6  }
0xf: {  	[smem:$0x3FB5] =	sst s7  }
0x10: {  	[smem:$0x3FB6] =	sst s8  }
0x11: {  	[smem:$0x3FB7] =	sst s9;
	s0 =	simm.s32 @!p0 $0x0  }
0x12: {  	s1 =	sld [smem:$0x3F9D];
	s0 =	simm.s32 @p0 $0x1  }
0x13: {  	[smem:$0x3FB8] =	sst s0;
	s0 =	simm.s32 @!p1 $0x0  }
0x14: {  	s2 =	sld [smem:$0x3F9C];
	s0 =	simm.s32 @p1 $0x1  }
0x15: {  	[smem:$0x3FB9] =	sst s0;
	s0 =	simm.s32 @!p2 $0x0  }
0x16: {  	s3 =	sld [smem:$0x3FDB];
	s0 =	simm.s32 @p2 $0x1  }
0x17: {  	s4 =	simm.s32 $0x1BF5;
	[smem:$0x3FBB] =	sst s0  }
0x18: {  	s0 =	sld [smem:$0x3F9E];
	_ =	swait.ge [sflag:s4], $0x0  }
0x19: {  	s7 =	sld [smem:$0x3F9F]  }
0x1a: {  	s8 =	sadd.s32 $0xFFFFE003, lr  }
0x1b: {  	s9 =	sadd.s32 $0xFFFFFEF7, lr;
	s5 =	simm.s32 $0xFFFFFFFF;
	p2 =	slt.u32 s8, $0xFFFFF086  }
0x1c: {  	p1 =	slt.u32 s9, $0xF7A;
	s5 =	simm.s32 @!p2 $0x0  }
0x1d: {  	s5 =	simm.s32 @p1 $0x1;
	p0 =	seq.s32 s7, s2  }
0x1e: {  	s7 =	smul.u32 @!p0 $0xF7A, s2;
	p2 =	seq.s32 @!p0 s5, $0x0  }
0x1f: {  	s9 =	smul.u32 $0xF7A, s1;
	s8 =	simm.s32 @!p0 $0x1BF5;
	p2 =	por !p2, p0  }
0x20: {  	[sflag:s8] =	ssyncset.s32 @!p0 $0xFFFFF086;
	s6 =	sadd.s32 @!p0 s3, s7;
	s7 =	simm.s32 @!p0 $0x108  }
0x21: {  	s3 =	sadd.s32 s3, s9;
	s6 =	sadd.s32 @!p0 $0x88, s6;
	s7 =	simm.s32 @p2 $0x1082  }
0x22: {  	[simem:s7], [sflag:s8] =	dma.local @!p0 [hbm:s6], $0xF7A  }
0x23: {  	s9 =	sor.u32 $0xD0000000, s2;
	s6 =	simm.s32 $0x108;
	_ =	swait.ge @!p0 [sflag:s8], $0x0  }
0x24: {  	s3 =	sadd.s32 $0x88, s3;
	s6 =	simm.s32 @!p1 $0x1082;
	[sflag:s4] =	ssyncset.s32 $0xFFFFF086  }
0x25: {  	[simem:s6], [sflag:s4] =	dma.local [hbm:s3], $0xF7A  }
0x26: {  	[smem:$0x3F9F] =	sst s1;
	(tag) =	ssettag s2;
	_ =	strace s9  }
0x27: {  	s1 =	sld [smem:$0x3FAF]  }
0x28: {  	s2 =	sld [smem:$0x3FB0]  }
0x29: {  	s4 =	sld [smem:$0x3FB2]  }
0x2a: {  	p0 =	seq.s32 s5, $0x0;
	s5 =	sld [smem:$0x3FB3]  }
0x2b: {  	s6 =	sld [smem:$0x3FB4]  }
0x2c: {  	s7 =	sld [smem:$0x3FB5]  }
0x2d: {  	s3 =	simm.s32 $0x108;
	s8 =	sld [smem:$0x3FB6]  }
0x2e: {  	s3 =	simm.s32 @!p0 $0x1082;
	s9 =	sld [smem:$0x3FB7]  }
0x2f: {  	lr =	sadd.s32 s0, s3;
	s0 =	sld [smem:$0x3FAE]  }
0x30: {  	s3 =	sld [smem:$0x3FB1]  }
0x31: {  	[smem:$0x3FBA] =	sst s10  }
0x32: {  	s10 =	sld [smem:$0x3FB8];
	_ =	sdelay $0x3  }
0x33: {  	p0 =	seq.s32 s10, $0x1;
	s10 =	sld [smem:$0x3FBA];
	_ =	sdelay $0x3  }
0x34: {  	[smem:$0x3FBA] =	sst s10  }
0x35: {  	s10 =	sld [smem:$0x3FB9];
	_ =	sdelay $0x3  }
0x36: {  	p1 =	seq.s32 s10, $0x1;
	s10 =	sld [smem:$0x3FBA];
	_ =	sdelay $0x3  }
0x37: {  	[smem:$0x3FBA] =	sst s10  }
0x38: {  	s10 =	sld [smem:$0x3FBB]  }
0x39: {  	_ = 	snop;
	(pc) =	sbr.ind lr, $3  }
0x3a: {  	_ = 	snop  }
0x3b: {  	_ = 	snop  }
0x3c: {  	p2 =	seq.s32 s10, $0x1;
	s10 =	sld [smem:$0x3FBA]  }
0x3d: {  	_ =	shalt  }
0x3e: {  	_ =	shalt  }
0x3f: {  	_ =	shalt  }
0x40: {  	_ =	shalt  }
0x41: {  	_ =	shalt  }
0x42: {  	_ =	shalt  }
0x43: {  	_ =	shalt  }
0x44: {  	_ =	shalt  }
0x45: {  	_ =	shalt  }
0x46: {  	_ =	shalt  }
0x47: {  	_ =	shalt  }
0x48: {  	_ =	shalt  }
0x49: {  	_ =	shalt  }
0x4a: {  	_ =	shalt  }
0x4b: {  	_ =	shalt  }
0x4c: {  	_ =	shalt  }
0x4d: {  	_ =	shalt  }
0x4e: {  	_ =	shalt  }
0x4f: {  	_ =	shalt  }
0x50: {  	_ =	shalt  }
0x51: {  	_ =	shalt  }
0x52: {  	_ =	shalt  }
0x53: {  	_ =	shalt  }
0x54: {  	_ =	shalt  }
0x55: {  	_ =	shalt  }
0x56: {  	_ =	shalt  }
0x57: {  	_ =	shalt  }
0x58: {  	_ =	shalt  }
0x59: {  	_ =	shalt  }
0x5a: {  	_ =	shalt  }
0x5b: {  	_ =	shalt  }
0x5c: {  	_ =	shalt  }
0x5d: {  	_ =	shalt  }
0x5e: {  	_ =	shalt  }
0x5f: {  	_ =	shalt  }
0x60: {  	_ =	shalt  }
0x61: {  	_ =	shalt  }
0x62: {  	_ =	shalt  }
0x63: {  	_ =	shalt  }
0x64: {  	_ =	shalt  }
0x65: {  	_ =	shalt  }
0x66: {  	_ =	shalt  }
0x67: {  	_ =	shalt  }
0x68: {  	_ =	shalt  }
0x69: {  	_ =	shalt  }
0x6a: {  	_ =	shalt  }
0x6b: {  	_ =	shalt  }
0x6c: {  	_ =	shalt  }
0x6d: {  	_ =	shalt  }
0x6e: {  	_ =	shalt  }
0x6f: {  	_ =	shalt  }
0x70: {  	_ =	shalt  }
0x71: {  	_ =	shalt  }
0x72: {  	_ =	shalt  }
0x73: {  	_ =	shalt  }
0x74: {  	_ =	shalt  }
0x75: {  	_ =	shalt  }
0x76: {  	_ =	shalt  }
0x77: {  	_ =	shalt  }
0x78: {  	_ =	shalt  }
0x79: {  	_ =	shalt  }
0x7a: {  	_ =	shalt  }
0x7b: {  	_ =	shalt  }
0x7c: {  	_ =	shalt  }
0x7d: {  	_ =	shalt  }
0x7e: {  	_ =	shalt  }
0x7f: {  	_ =	shalt  }
0x80: {  	_ =	shalt  }
0x81: {  	_ =	shalt  }
0x82: {  	_ =	shalt  }
0x83: {  	_ =	shalt  }
0x84: {  	_ =	shalt  }
0x85: {  	_ =	shalt  }
0x86: {  	_ =	shalt  }
0x87: {  	_ =	shalt  }
.Lfunc_end0:
.L_simem_size_0:
called_computation_lowered:
.L_overlay_start_0:
0x88: {  	s2 =	sld [smem:$0x3FD9]  }
0x89: {  	s3 =	sld [smem:$0x3FFE];
	_ =	sdelay $0x1  }
0x8a: {  	s1 =	srdreg.scid  }
0x8b: {  	s0 =	sand.u32 $0x1, s1  }
0x8c: {  	s17 =	sshll.u32 s0, $0xA;
	s2 =	sadd.s32 s3, s2  }
0x8d: {  	s2 =	sadd.s32 s2, s17  }
0x8e: {  	[smem:$0x3FC6] =	sst s2  }
0x8f: {  	_ = 	snop  }
0x90: {  	s2 =	sld [smem:$0x3FC9]  }
0x91: {  	s18 =	sld [smem:$0x3FC8]  }
0x92: {  	s4 =	sld [smem:$0x3FD0];
	(tm) =	ssettm $0x1  }
0x93: {  	s5 =	sld [smem:$0x3FFB];
	_ =	sdelay $0x3  }
0x94: {  	_ =	strace s5  }
0x95: {  	s5 =	sld [smem:$0x3FFC];
	_ =	sdelay $0x3  }
0x96: {  	_ =	strace s5  }
0x97: {  	s5 =	sld [smem:$0x3FFD];
	_ =	sdelay $0x3  }
0x98: {  	_ =	strace s5  }
0x99: {  	_ =	strace $0x8FFFFFFF  }
0x9a: {  	s19 =	sld [smem:$0x3FDB];
	_ =	sdelay $0x1  }
0x9b: {  	s6 =	simm.s32 $_scs_section_size  }
0x9c: {  	s7 =	simm.s32 $_size__tile_overlayer_lowered;
	s8 =	simm.s32 $_tile_overlayer_lowered  }
0x9d: {  	s22 =	simm.s32 $0x1BFF;
	s21 =	sshll.u32 s8, $0x1;
	s5 =	sadd.s32 s6, s19  }
0x9e: {  	s9 =	simm.s32 $0x0;
	s20 =	sshll.u32 s7, $0x1;
	s7 =	sadd.s32 s21, s5  }
0x9f: {  	[timem:s9], [sflag:s22] =	dma.local [hbm:s7], s20  }
0xa0: {  	_ =	swait.ge [sflag:s22], s20  }
0xa1: {  	s6 =	ssub.s32 $0x0, s20;
	[sflag:s22] =	ssyncset.done $0x0  }
0xa2: {  	[sflag:s22] =	ssyncadd.s32 s6;
	_ =	sdelay $0x1  }
0xa3: {  	s23 =	simm.s32 $0x1B8B  }
0xa4: {  	_ =	swait.ge [sflag:s23], $0x1  }
0xa5: {  	[sflag:s23] =	ssyncset.done $0x0  }
0xa6: {  	s25 =	simm.s32 $0x1B8E;
	s24 =	sld [smem:$0x3FFE];
	[sflag:s23] =	ssyncadd.s32 $0xFFFFFFFF  }
0xa7: {  	s26 =	simm.s32 $execute0_lowered;
	[smem:$0x3FD2] =	sst s25  }
0xa8: {  	s7 =	sshll.u32 s26, $0x1;
	_ =	strace $0x80000046;
	[dreg:$0x1] =	wrdreg $0xFFFFFFFF  }
0xa9: {  	s28 =	simm.s32 $_size_execute0_lowered;
	s5 =	sadd.s32 s5, s7;
	[dreg:$0x0] =	wrdreg $0x0  }
0xaa: {  	s7 =	sshll.u32 s28, $0x1;
	[dreg:$0x2] =	wrdreg s5  }
0xab: {  	[dreg:$0x3] =	wrdreg s7  }
0xac: {  	[dreg:$0x4] =	wrdreg $0xC0  }
0xad: {  	_ =	task [dreg:s9], $0x5FFFF  }
0xae: {  	[dreg:$0x1] =	wrdreg $0xFFFFFFFF  }
0xaf: {  	[dreg:$0x0] =	wrdreg $0x60  }
0xb0: {  	[dreg:$0x2] =	wrdreg s2  }
0xb1: {  	[dreg:$0x3] =	wrdreg s18  }
0xb2: {  	[dreg:$0x4] =	wrdreg s24  }
0xb3: {  	[dreg:$0x5] =	wrdreg s4  }
0xb4: {  	[dreg:$0x6] =	wrdreg $0x9  }
0xb5: {  	_ =	task.clear_ibuf [dreg:s9], $0x7FFFF;
	_ =	strace $0x90000046  }
0xb6: {  	s29 =	simm.s32 $0x9;
	_ =	strace $0x80000048  }
0xb7: {  	_ =	swait.ge [sflag:s29], $0x1  }
0xb8: {  	[sflag:s29] =	ssyncadd.s32 $0xFFFFFFFF  }
0xb9: {  	_ =	strace $0x90000048  }
0xba: {  	_ =	sfence  }
0xbb: {  	s30 =	sld [smem:$0x0];
	_ =	sdelay $0x2  }
0xbc: {  	s31 =	sshll.u32 s1, $0xD;
	s1 =	sshrl.u32 s1, $0x2  }
0xbd: {  	s3 =	sand.u32 $0x4000, s31;
	s1 =	sadd.s32 s1, s30  }
0xbe: {  	s0 =	sor.u32 s3, s0;
	s1 =	sshll.u32 s1, $0x11  }
0xbf: {  	s0 =	sor.u32 s1, s0  }
0xc0: {  	s0 =	sadd.s32 $0x8F2B, s0  }
0xc1: {  	[sflag:s0] =	ssyncadd.remote.s32 $0x1  }
0xc2: {  	_ =	sfence.sel $0xFFFF  }
0xc3: {  	[dreg:$0x0] =	wrdreg $0xFFFFFFFF;
	(pc) =	sbr.abs _section_cstart, $3  }
0xc4: {  	[dreg:$0x1] =	wrdreg $0xFFFFFFFF  }
0xc5: {  	_ =	task.clear_ibuf [dreg:s9], $0x2FFFF;
	_ =	strace $0x9FFFFFFF  }
0xc6: {  	(tm) =	ssettm $0x7FFFFFFF  }
0xc7: {  	_ =	shalt  }
tec
execute0_lowered:
.L_overlay_start_1:
0x0: {  	(tag) =	ssettag $0x1  }
0x1: {  	s0 =	rddreg [dreg:$0x0]  }
0x2: {  	s1 =	rddreg [dreg:$0x1]  }
0x3: {  	s3 =	rddreg [dreg:$0x2]  }
0x4: {  	s2 =	rddreg [dreg:$0x3]  }
0x5: {  	s4 =	simm.s32 $0x0;
	s5 =	srdreg.scid;
	s7 =	stileid.u32  }
0x6: {  	s15 =	simm.s32 $0x200;
	s16 =	simm.s32 $0xA200;
	s21 =	simm.s32 $0xC200  }
0x7: {  	s12 =	simm.s32 $0x2;
	s14 =	simm.s32 $0x3;
	s17 =	simm.s32 $0x4  }
0x8: {  	s18 =	simm.s32 $0x5;
	s20 =	simm.s32 $0x6;
	s22 =	simm.s32 $0x7  }
0x9: {  	s11 =	simm.s32 $0x0;
	[smem:$0x7FF] =	sst s4;
	s3 =	sadd.s32 $0x400, s3  }
0xa: {  	s24 =	sand.u32 $0x1, s5;
	s25 =	sshll.u32 s7, $0x1;
	s10 =	sshrl.u32 s7, $0x2  }
0xb: {  	s7 =	sadd.s32 $0x100, s1;
	s8 =	sadd.s32 $0x200, s1;
	s9 =	sadd.s32 $0x300, s1  }
0xc: {  	_ =	strace $0x80000047;
	[dreg:$0x5] =	wrdreg s3;
	s6 =	ssub.s32 $0x2, s24  }
0xd: {  	s5 =	sand.u32 $0x6, s25;
	s28 =	sshll.u32 s10, $0x4;
	s30 =	sshll.u32 s10, $0x16  }
0xe: {  	s26 =	sshrl.u32 s6, $0x1;
	s3 =	sor.u32 s24, s5;
	s0 =	sadd.s32 s0, s28  }
0xf: {  	s24 =	simm.s32 $0x8;
	s6 =	ssub.s32 s6, s26;
	s29 =	sshll.u32 s3, $0x8  }
0x10: {  	v0 =	vlaneseq.u32;
	s3 =	sshll.u32 s3, $0x13;
	s26 =	simm.s32 $0xE200;
	s0 =	sadd.s32 s29, s0  }
0x11: {  	v1 =	vshrl.u32 v0, $0x3;
	s10 =	sor.u32 s30, s3;
	s31 =	smax.u32 s6, $0x1;
	[dreg:$0x6] =	wrdreg s0  }
0x12: {  	vm0 =	vmmov $0xffff;
	v0 =	vand.u32 $0x7, v0;
	v1 =	vmul.u32 $0x8, v1;
	s3 =	simm.s32 $0x1;
	[dreg:$0x7] =	wrdreg s31;
	s0 =	simm.s32 $0x8200  }
.LBB2_1:
0x13: {  	[dreg:$0x8] =	wrdreg s11  }
0x14: {  	s5 =	rddreg [dreg:$0x5];
	s6 =	simm.s32 $0x10200;
	s19 =	simm.s32 $0x11  }
0x15: {  	[tilespmem:s6], [sflag:$0x11] =	stream.linear.gather [hbm4b:s5+s4], $0x1, $0x38;
	[tilespmem:$0x10280] =	vst v63  }
0x16: {  	_ =	swait.ge [sflag:s19], $0x1  }
0x17: {  	[sflag:s19] =	ssyncset.done $0x0  }
0x18: {  	s25 =	simm.s32 $0x80;
	s23 =	rddreg [dreg:$0x6];
	[sflag:s19] =	ssyncadd.s32 $0xFFFFFFFF  }
0x19: {  	v2 =	vld.msk [tilespmem:$0x10200 ss:$0x0], $0xffff;
	[tilespmem:s4], [sflag:$0x11] =	stream.strided.gather [hbm4b:s23+s25], $0x200, s15, s25, $0x38  }
0x1a: {  	_ =	swait.ge [sflag:s19], $0x200  }
0x1b: {  	[sflag:s19] =	ssyncset.done $0x0  }
0x1c: {  	[sflag:s19] =	ssyncadd.s32 $0xFFFFFE00  }
0x1d: {  	v3 =	vld.msk [tilespmem:$0x0], $0xff;
	_ =	sdelay $0x4  }
0x1e: {  	v4 =	vshll.u32 v3, $0x3  }
0x1f: {  	v3 =	vand.u32 $0x7, v3;
	v4 =	vand.u32 $0xFFFFFFC0, v4  }
0x20: {  	v3 =	vor.u32 v3, v4  }
0x21: {  	v3 =	vperm.xlane v3, v0;
	_ =	sdelay $0x1  }
0x22: {  	v3 =	vadd.s32 v1, v3;
	_ =	sdelay $0x4  }
0x23: {  	[tilespmem:s15], [sflag:$0x1] =	stream.indirect_vreg.gather [hbm4b:s1+s4], $0x80, v3, vm0, $0xb8;
	[tilespmem:$0x10280] =	vst v63  }
0x24: {  	s28 =	simm.s32 $0xA00  }
0x25: {  	[tilespmem:s28], [sflag:$0x1] =	stream.indirect_vreg.gather [hbm4b:s7+s4], $0x80, v3, vm0, $0xb8;
	[tilespmem:$0x10280] =	vst v63  }
0x26: {  	s29 =	simm.s32 $0x1200  }
0x27: {  	[tilespmem:s29], [sflag:$0x1] =	stream.indirect_vreg.gather [hbm4b:s8+s4], $0x80, v3, vm0, $0xb8;
	[tilespmem:$0x10280] =	vst v63  }
0x28: {  	s30 =	simm.s32 $0x1A00  }
0x29: {  	[tilespmem:s30], [sflag:$0x1] =	stream.indirect_vreg.gather [hbm4b:s9+s4], $0x80, v3, vm0, $0xb8;
	[tilespmem:$0x10280] =	vst v63  }
0x2a: {  	v3 =	vld.msk [tilespmem:$0x8], $0xff;
	_ =	sdelay $0x4  }
0x2b: {  	v58 =	vshll.u32 v3, $0x3  }
0x2c: {  	v3 =	vand.u32 $0x7, v3;
	v4 =	vand.u32 $0xFFFFFFC0, v58  }
0x2d: {  	v3 =	vor.u32 v3, v4  }
0x2e: {  	v3 =	vperm.xlane v3, v0;
	_ =	sdelay $0x1  }
0x2f: {  	v3 =	vadd.s32 v1, v3;
	_ =	sdelay $0x3  }
0x30: {  	s31 =	simm.s32 $0x2200  }
0x31: {  	[tilespmem:s31], [sflag:$0x2] =	stream.indirect_vreg.gather [hbm4b:s1+s4], $0x80, v3, vm0, $0xb8;
	[tilespmem:$0x10280] =	vst v63  }
0x32: {  	s6 =	simm.s32 $0x2A00  }
0x33: {  	[tilespmem:s6], [sflag:$0x2] =	stream.indirect_vreg.gather [hbm4b:s7+s4], $0x80, v3, vm0, $0xb8;
	[tilespmem:$0x10280] =	vst v63  }
0x34: {  	s11 =	simm.s32 $0x3200  }
0x35: {  	[tilespmem:s11], [sflag:$0x2] =	stream.indirect_vreg.gather [hbm4b:s8+s4], $0x80, v3, vm0, $0xb8;
	[tilespmem:$0x10280] =	vst v63  }
0x36: {  	s13 =	simm.s32 $0x3A00  }
0x37: {  	[tilespmem:s13], [sflag:$0x2] =	stream.indirect_vreg.gather [hbm4b:s9+s4], $0x80, v3, vm0, $0xb8;
	[tilespmem:$0x10280] =	vst v63  }
0x38: {  	v3 =	vld.msk [tilespmem:$0x10], $0xff;
	_ =	sdelay $0x4  }
0x39: {  	v59 =	vshll.u32 v3, $0x3  }
0x3a: {  	v3 =	vand.u32 $0x7, v3;
	v4 =	vand.u32 $0xFFFFFFC0, v59  }
0x3b: {  	v3 =	vor.u32 v3, v4  }
0x3c: {  	v3 =	vperm.xlane v3, v0;
	_ =	sdelay $0x1  }
0x3d: {  	v3 =	vadd.s32 v1, v3;
	_ =	sdelay $0x3  }
0x3e: {  	s19 =	simm.s32 $0x4200  }
0x3f: {  	[tilespmem:s19], [sflag:$0x3] =	stream.indirect_vreg.gather [hbm4b:s1+s4], $0x80, v3, vm0, $0xb8;
	[tilespmem:$0x10280] =	vst v63  }
0x40: {  	s23 =	simm.s32 $0x4A00  }
0x41: {  	[tilespmem:s23], [sflag:$0x3] =	stream.indirect_vreg.gather [hbm4b:s7+s4], $0x80, v3, vm0, $0xb8;
	[tilespmem:$0x10280] =	vst v63  }
0x42: {  	s25 =	simm.s32 $0x5200  }
0x43: {  	[tilespmem:s25], [sflag:$0x3] =	stream.indirect_vreg.gather [hbm4b:s8+s4], $0x80, v3, vm0, $0xb8;
	[tilespmem:$0x10280] =	vst v63  }
0x44: {  	s28 =	simm.s32 $0x5A00  }
0x45: {  	[tilespmem:s28], [sflag:$0x3] =	stream.indirect_vreg.gather [hbm4b:s9+s4], $0x80, v3, vm0, $0xb8;
	[tilespmem:$0x10280] =	vst v63  }
0x46: {  	v3 =	vld.msk [tilespmem:$0x18], $0xff;
	_ =	sdelay $0x4  }
0x47: {  	v60 =	vshll.u32 v3, $0x3  }
0x48: {  	v3 =	vand.u32 $0x7, v3;
	v4 =	vand.u32 $0xFFFFFFC0, v60  }
0x49: {  	v3 =	vor.u32 v3, v4  }
0x4a: {  	v3 =	vperm.xlane v3, v0;
	_ =	sdelay $0x1  }
0x4b: {  	v3 =	vadd.s32 v1, v3;
	_ =	sdelay $0x3  }
0x4c: {  	s29 =	simm.s32 $0x6200  }
0x4d: {  	[tilespmem:s29], [sflag:$0x4] =	stream.indirect_vreg.gather [hbm4b:s1+s4], $0x80, v3, vm0, $0xb8;
	[tilespmem:$0x10280] =	vst v63  }
0x4e: {  	s30 =	simm.s32 $0x6A00  }
0x4f: {  	[tilespmem:s30], [sflag:$0x4] =	stream.indirect_vreg.gather [hbm4b:s7+s4], $0x80, v3, vm0, $0xb8;
	[tilespmem:$0x10280] =	vst v63  }
0x50: {  	s31 =	simm.s32 $0x7200  }
0x51: {  	[tilespmem:s31], [sflag:$0x4] =	stream.indirect_vreg.gather [hbm4b:s8+s4], $0x80, v3, vm0, $0xb8;
	[tilespmem:$0x10280] =	vst v63  }
0x52: {  	s6 =	simm.s32 $0x7A00  }
0x53: {  	[tilespmem:s6], [sflag:$0x4] =	stream.indirect_vreg.gather [hbm4b:s9+s4], $0x80, v3, vm0, $0xb8;
	[tilespmem:$0x10280] =	vst v63  }
0x54: {  	v3 =	vld.msk [tilespmem:$0x20], $0xff;
	_ =	sdelay $0x4  }
0x55: {  	v61 =	vshll.u32 v3, $0x3  }
0x56: {  	v3 =	vand.u32 $0x7, v3;
	v4 =	vand.u32 $0xFFFFFFC0, v61  }
0x57: {  	v3 =	vor.u32 v3, v4  }
0x58: {  	v3 =	vperm.xlane v3, v0;
	_ =	sdelay $0x1  }
0x59: {  	v3 =	vadd.s32 v1, v3;
	_ =	sdelay $0x4  }
0x5a: {  	[tilespmem:s0], [sflag:$0x5] =	stream.indirect_vreg.gather [hbm4b:s1+s4], $0x80, v3, vm0, $0xb8;
	[tilespmem:$0x10280] =	vst v63  }
0x5b: {  	s11 =	simm.s32 $0x8A00  }
0x5c: {  	[tilespmem:s11], [sflag:$0x5] =	stream.indirect_vreg.gather [hbm4b:s7+s4], $0x80, v3, vm0, $0xb8;
	[tilespmem:$0x10280] =	vst v63  }
0x5d: {  	s13 =	simm.s32 $0x9200  }
0x5e: {  	[tilespmem:s13], [sflag:$0x5] =	stream.indirect_vreg.gather [hbm4b:s8+s4], $0x80, v3, vm0, $0xb8;
	[tilespmem:$0x10280] =	vst v63  }
0x5f: {  	s19 =	simm.s32 $0x9A00  }
0x60: {  	[tilespmem:s19], [sflag:$0x5] =	stream.indirect_vreg.gather [hbm4b:s9+s4], $0x80, v3, vm0, $0xb8;
	[tilespmem:$0x10280] =	vst v63  }
0x61: {  	v3 =	vld.msk [tilespmem:$0x28], $0xff;
	_ =	sdelay $0x4  }
0x62: {  	v62 =	vshll.u32 v3, $0x3  }
0x63: {  	v3 =	vand.u32 $0x7, v3;
	v4 =	vand.u32 $0xFFFFFFC0, v62  }
0x64: {  	v3 =	vor.u32 v3, v4  }
0x65: {  	v3 =	vperm.xlane v3, v0;
	_ =	sdelay $0x1  }
0x66: {  	v3 =	vadd.s32 v1, v3;
	_ =	sdelay $0x4  }
0x67: {  	[tilespmem:s16], [sflag:$0x6] =	stream.indirect_vreg.gather [hbm4b:s1+s4], $0x80, v3, vm0, $0xb8;
	[tilespmem:$0x10280] =	vst v63  }
0x68: {  	s23 =	simm.s32 $0xAA00  }
0x69: {  	[tilespmem:s23], [sflag:$0x6] =	stream.indirect_vreg.gather [hbm4b:s7+s4], $0x80, v3, vm0, $0xb8;
	[tilespmem:$0x10280] =	vst v63  }
0x6a: {  	s25 =	simm.s32 $0xB200  }
0x6b: {  	[tilespmem:s25], [sflag:$0x6] =	stream.indirect_vreg.gather [hbm4b:s8+s4], $0x80, v3, vm0, $0xb8;
	[tilespmem:$0x10280] =	vst v63  }
0x6c: {  	s28 =	simm.s32 $0xBA00  }
0x6d: {  	[tilespmem:s28], [sflag:$0x6] =	stream.indirect_vreg.gather [hbm4b:s9+s4], $0x80, v3, vm0, $0xb8;
	[tilespmem:$0x10280] =	vst v63  }
0x6e: {  	v3 =	vld.msk [tilespmem:$0x30], $0xff;
	_ =	sdelay $0x4  }
0x6f: {  	v63 =	vshll.u32 v3, $0x3  }
0x70: {  	v3 =	vand.u32 $0x7, v3;
	v4 =	vand.u32 $0xFFFFFFC0, v63  }
0x71: {  	v3 =	vor.u32 v3, v4  }
0x72: {  	v3 =	vperm.xlane v3, v0;
	_ =	sdelay $0x1  }
0x73: {  	v3 =	vadd.s32 v1, v3;
	_ =	sdelay $0x4  }
0x74: {  	[tilespmem:s21], [sflag:$0x7] =	stream.indirect_vreg.gather [hbm4b:s1+s4], $0x80, v3, vm0, $0xb8;
	[tilespmem:$0x10280] =	vst v63  }
0x75: {  	s29 =	simm.s32 $0xCA00  }
0x76: {  	[tilespmem:s29], [sflag:$0x7] =	stream.indirect_vreg.gather [hbm4b:s7+s4], $0x80, v3, vm0, $0xb8;
	[tilespmem:$0x10280] =	vst v63  }
0x77: {  	s30 =	simm.s32 $0xD200  }
0x78: {  	[tilespmem:s30], [sflag:$0x7] =	stream.indirect_vreg.gather [hbm4b:s8+s4], $0x80, v3, vm0, $0xb8;
	[tilespmem:$0x10280] =	vst v63  }
0x79: {  	s5 =	simm.s32 $0x0;
	s31 =	simm.s32 $0xDA00  }
0x7a: {  	[tilespmem:s31], [sflag:$0x7] =	stream.indirect_vreg.gather [hbm4b:s9+s4], $0x80, v3, vm0, $0xb8;
	[tilespmem:$0x10280] =	vst v63  }
.LBB2_2:
0x7b: {  	s6 =	sshll.u32 s5, $0x3  }
0x7c: {  	s11 =	sadd.s32 $0xFFFFFFF8, s6  }
0x7d: {  	p0 =	sgt.u32 s11, $0x37  }
0x7e: {  	s13 =	simm.s32 @!p0 $0x10  }
0x7f: {  	s28 =	sshll.u32 s5, $0x6;
	_ =	swait.ge @!p0 [sflag:s13], $0x2000  }
0x80: {  	s11 =	sand.u32 $0x3FFFFFC0, s28;
	[sflag:s13] =	ssyncset.done @!p0 $0x0  }
0x81: {  	s19 =	sor.u32 $0x38, s11;
	[sflag:s13] =	ssyncadd.s32 @!p0 $0xFFFFE000  }
0x82: {  	v3 =	vld.msk [tilespmem:s19+$0x0], $0xff;
	_ =	sdelay $0x4  }
0x83: {  	v4 =	vshll.u32 v3, $0x3  }
0x84: {  	v3 =	vand.u32 $0x7, v3;
	v4 =	vand.u32 $0xFFFFFFC0, v4  }
0x85: {  	v3 =	vor.u32 v3, v4  }
0x86: {  	v3 =	vperm.xlane v3, v0;
	_ =	sdelay $0x1  }
0x87: {  	v3 =	vadd.s32 v1, v3;
	_ =	sdelay $0x3  }
0x88: {  	s13 =	simm.s32 $0x0  }
0x89: {  	[tilespmem:s26], [sflag:$0x8] =	stream.indirect_vreg.gather [hbm4b:s1+s13], $0x80, v3, vm0, $0xb8;
	[tilespmem:$0x10280] =	vst v63  }
0x8a: {  	s19 =	simm.s32 $0xEA00  }
0x8b: {  	[tilespmem:s19], [sflag:$0x8] =	stream.indirect_vreg.gather [hbm4b:s7+s13], $0x80, v3, vm0, $0xb8;
	[tilespmem:$0x10280] =	vst v63  }
0x8c: {  	s23 =	simm.s32 $0xF200  }
0x8d: {  	[tilespmem:s23], [sflag:$0x8] =	stream.indirect_vreg.gather [hbm4b:s8+s13], $0x80, v3, vm0, $0xb8;
	[tilespmem:$0x10280] =	vst v63  }
0x8e: {  	s25 =	simm.s32 $0xFA00  }
0x8f: {  	[tilespmem:s25], [sflag:$0x8] =	stream.indirect_vreg.gather [hbm4b:s9+s13], $0x80, v3, vm0, $0xb8;
	[tilespmem:$0x10280] =	vst v63  }
0x90: {  	_ =	swait.ge [sflag:s3], $0x2000  }
0x91: {  	s28 =	sand.u32 $0x1C00, s13;
	s13 =	sand.u32 $0x380, s13;
	[sflag:s3] =	ssyncset.done $0x0  }
0x92: {  	s25 =	sor.u32 s13, s28;
	[sflag:s3] =	ssyncadd.s32 $0xFFFFE000  }
0x93: {  	v3 =	vld [tilespmem:s25+$0x270]  }
0x94: {  	v4 =	vld [tilespmem:s25+$0x200]  }
0x95: {  	v5 =	vld [tilespmem:s25+$0x210]  }
0x96: {  	v10 =	vld [tilespmem:s25+$0x250]  }
0x97: {  	v6 =	vld [tilespmem:s25+$0x220]  }
0x98: {  	s23 =	simm.s32 $0x400;
	s28 =	simm.s32 $0x10;
	v8 =	vld [tilespmem:s25+$0x230];
	v3 =	vmul.f32 v3, v2  }
0x99: {  	s13 =	sand.u32 $0x1C00, s23;
	s19 =	sand.u32 $0x380, s28;
	v9 =	vld [tilespmem:s25+$0x240];
	v4 =	vmul.f32 v4, v2  }
0x9a: {  	s13 =	sor.u32 s19, s13;
	v11 =	vld [tilespmem:s25+$0x260];
	v5 =	vmul.f32 v5, v2;
	[tilespmem:s25+$0x270] =	vst v3  }
0x9b: {  	v12 =	vld [tilespmem:s13+$0x270];
	v10 =	vmul.f32 v10, v2;
	[tilespmem:s25+$0x200] =	vst v4  }
0x9c: {  	v7 =	vld [tilespmem:s13+$0x200];
	v3 =	vmul.f32 v6, v2;
	[tilespmem:s25+$0x210] =	vst v5  }
0x9d: {  	v4 =	vmul.f32 v8, v2;
	v6 =	vld [tilespmem:s13+$0x210];
	[tilespmem:s25+$0x250] =	vst v10  }
0x9e: {  	v5 =	vmul.f32 v9, v2;
	[tilespmem:s25+$0x220] =	vst v3;
	v3 =	vld [tilespmem:s13+$0x220]  }
0x9f: {  	v9 =	vmul.f32 v11, v2;
	[tilespmem:s25+$0x230] =	vst v4;
	v4 =	vld [tilespmem:s13+$0x230]  }
0xa0: {  	s29 =	simm.s32 $0x8;
	s30 =	simm.s32 $0x800;
	s31 =	simm.s32 $0x20;
	v8 =	vmul.f32 v12, v2;
	[tilespmem:s25+$0x240] =	vst v5;
	v5 =	vld [tilespmem:s13+$0x240]  }
.LBB2_3:
0xa1: {  	s19 =	sand.u32 $0x1C00, s30;
	s23 =	sand.u32 $0x380, s31;
	s29 =	sadd.s32 $0x8, s29;
	v7 =	vmul.f32 v7, v2;
	v10 =	vld [tilespmem:s13+$0x250];
	[tilespmem:s25+$0x260] =	vst v9  }
0xa2: {  	s25 =	smov.u32 s13;
	p0 =	slt.u32 s29, $0x1F8;
	v6 =	vmul.f32 v6, v2;
	v9 =	vld [tilespmem:s13+$0x260];
	[tilespmem:s13+$0x270] =	vst v8;
	s13 =	sor.u32 s23, s19  }
0xa3: {  	v8 =	vld [tilespmem:s13+$0x270];
	[tilespmem:s25+$0x200] =	vst v7;
	v3 =	vmul.f32 v3, v2  }
.Ltmp0:
0xa4: {  	v7 =	vld [tilespmem:s13+$0x200];
	[tilespmem:s25+$0x210] =	vst v6;
	v4 =	vmul.f32 v4, v2;
	(pc) =	sbr.rel @p0 .LBB2_3-.Ltmp0, $4  }
0xa5: {  	v6 =	vld [tilespmem:s13+$0x210];
	[tilespmem:s25+$0x220] =	vst v3;
	v5 =	vmul.f32 v5, v2  }
0xa6: {  	v3 =	vld [tilespmem:s13+$0x220];
	[tilespmem:s25+$0x230] =	vst v4;
	v10 =	vmul.f32 v10, v2  }
0xa7: {  	v4 =	vld [tilespmem:s13+$0x230];
	[tilespmem:s25+$0x240] =	vst v5;
	v9 =	vmul.f32 v9, v2  }
0xa8: {  	s30 =	sadd.s32 $0x400, s30;
	s31 =	sadd.s32 $0x10, s31;
	v5 =	vld [tilespmem:s13+$0x240];
	v8 =	vmul.f32 v8, v2;
	[tilespmem:s25+$0x250] =	vst v10  }
0xa9: {  	v7 =	vmul.f32 v7, v2;
	v10 =	vld [tilespmem:s13+$0x250];
	[tilespmem:s25+$0x260] =	vst v9  }
0xaa: {  	v9 =	vld [tilespmem:s13+$0x260];
	v6 =	vmul.f32 v6, v2;
	[tilespmem:s13+$0x270] =	vst v8  }
0xab: {  	[tilespmem:s13+$0x200] =	vst v7;
	v3 =	vmul.f32 v3, v2  }
0xac: {  	[tilespmem:s13+$0x210] =	vst v6;
	v4 =	vmul.f32 v4, v2  }
0xad: {  	[tilespmem:s13+$0x220] =	vst v3;
	v3 =	vmul.f32 v5, v2  }
0xae: {  	s19 =	sshll.u32 s5, $0x10;
	[tilespmem:s13+$0x230] =	vst v4;
	v4 =	vmul.f32 v10, v2  }
0xaf: {  	s19 =	sadd.s32 s10, s19;
	[tilespmem:s13+$0x240] =	vst v3;
	v3 =	vmul.f32 v9, v2  }
0xb0: {  	s19 =	sshrl.u32 s19, $0x3;
	[tilespmem:s13+$0x250] =	vst v4  }
0xb1: {  	s23 =	sadd.s32 s2, s19;
	[tilespmem:s13+$0x260] =	vst v3;
	s13 =	sor.u32 $0x1, s6  }
0xb2: {  	[hbm4b:s23+s4] =	stream.linear.scatter [tilespmem:s15], [sflag:$0x9], $0x2000, $0x38;
	[tilespmem:$0x10280] =	vst v63  }
0xb3: {  	p0 =	sgt.u32 s13, $0x38  }
0xb4: {  	s19 =	simm.s32 @!p0 $0x9  }
0xb5: {  	_ =	swait.ge @!p0 [sflag:s19], $0x2000  }
0xb6: {  	[sflag:s19] =	ssyncset.done @!p0 $0x0  }
0xb7: {  	[sflag:s19] =	ssyncadd.s32 @!p0 $0xFFFFE000  }
0xb8: {  	v3 =	vld.msk @!p0 [tilespmem:s11+$0x40], $0xff;
	_ =	sdelay $0x4  }
0xb9: {  	v4 =	vshll.u32 @!p0 v3, $0x3  }
0xba: {  	v5 =	vlaneseq.u32 @!p0;
	v3 =	vand.u32 @!p0 $0x7, v3;
	v4 =	vand.u32 @!p0 $0xFFFFFFC0, v4  }
0xbb: {  	v3 =	vor.u32 @!p0 v3, v4;
	v4 =	vand.u32 @!p0 $0x7, v5;
	v5 =	vshrl.u32 @!p0 v5, $0x3  }
0xbc: {  	v3 =	vperm.xlane @!p0 v3, v4;
	v4 =	vmul.u32 @!p0 $0x8, v5;
	_ =	sdelay $0x1  }
0xbd: {  	v3 =	vadd.s32 @!p0 v4, v3;
	_ =	sdelay $0x3  }
0xbe: {  	vm1 =	vmmov @!p0 $0xffff;
	s23 =	simm.s32 @!p0 $0x200;
	s19 =	simm.s32 @!p0 $0x0  }
0xbf: {  	[tilespmem:s23], [sflag:$0x1] =	stream.indirect_vreg.gather @!p0 [hbm4b:s1+s19], $0x80, v3, vm1, $0xb8;
	[tilespmem:$0x10280] =	vst v63  }
0xc0: {  	s23 =	simm.s32 @!p0 $0xA00  }
0xc1: {  	[tilespmem:s23], [sflag:$0x1] =	stream.indirect_vreg.gather @!p0 [hbm4b:s7+s19], $0x80, v3, vm1, $0xb8;
	[tilespmem:$0x10280] =	vst v63  }
0xc2: {  	s23 =	simm.s32 @!p0 $0x1200  }
0xc3: {  	[tilespmem:s23], [sflag:$0x1] =	stream.indirect_vreg.gather @!p0 [hbm4b:s8+s19], $0x80, v3, vm1, $0xb8;
	[tilespmem:$0x10280] =	vst v63  }
0xc4: {  	s23 =	simm.s32 @!p0 $0x1A00  }
0xc5: {  	[tilespmem:s23], [sflag:$0x1] =	stream.indirect_vreg.gather @!p0 [hbm4b:s9+s19], $0x80, v3, vm1, $0xb8;
	[tilespmem:$0x10280] =	vst v63  }
0xc6: {  	s25 =	simm.s32 $0x0;
	_ =	swait.ge [sflag:s12], $0x2000  }
0xc7: {  	s28 =	sand.u32 $0x1C00, s25;
	s19 =	sand.u32 $0x380, s25;
	[sflag:s12] =	ssyncset.done $0x0  }
0xc8: {  	s29 =	sor.u32 s19, s28;
	[sflag:s12] =	ssyncadd.s32 $0xFFFFE000  }
0xc9: {  	v3 =	vld [tilespmem:s29+$0x2270]  }
0xca: {  	v4 =	vld [tilespmem:s29+$0x2200]  }
0xcb: {  	v5 =	vld [tilespmem:s29+$0x2210]  }
0xcc: {  	v10 =	vld [tilespmem:s29+$0x2250]  }
0xcd: {  	v6 =	vld [tilespmem:s29+$0x2220]  }
0xce: {  	s25 =	simm.s32 $0x400;
	s28 =	simm.s32 $0x10;
	v8 =	vld [tilespmem:s29+$0x2230];
	v3 =	vmul.f32 v3, v2  }
0xcf: {  	s19 =	sand.u32 $0x1C00, s25;
	s23 =	sand.u32 $0x380, s28;
	v9 =	vld [tilespmem:s29+$0x2240];
	v4 =	vmul.f32 v4, v2  }
0xd0: {  	s25 =	sor.u32 s23, s19;
	v11 =	vld [tilespmem:s29+$0x2260];
	v5 =	vmul.f32 v5, v2;
	[tilespmem:s29+$0x2270] =	vst v3  }
0xd1: {  	v12 =	vld [tilespmem:s25+$0x2270];
	v10 =	vmul.f32 v10, v2;
	[tilespmem:s29+$0x2200] =	vst v4  }
0xd2: {  	v7 =	vld [tilespmem:s25+$0x2200];
	v3 =	vmul.f32 v6, v2;
	[tilespmem:s29+$0x2210] =	vst v5  }
0xd3: {  	v4 =	vmul.f32 v8, v2;
	v6 =	vld [tilespmem:s25+$0x2210];
	[tilespmem:s29+$0x2250] =	vst v10  }
0xd4: {  	v5 =	vmul.f32 v9, v2;
	[tilespmem:s29+$0x2220] =	vst v3;
	v3 =	vld [tilespmem:s25+$0x2220]  }
0xd5: {  	v9 =	vmul.f32 v11, v2;
	[tilespmem:s29+$0x2230] =	vst v4;
	v4 =	vld [tilespmem:s25+$0x2230]  }
0xd6: {  	s30 =	simm.s32 $0x8;
	s31 =	simm.s32 $0x800;
	s19 =	simm.s32 $0x20;
	v8 =	vmul.f32 v12, v2;
	[tilespmem:s29+$0x2240] =	vst v5;
	v5 =	vld [tilespmem:s25+$0x2240]  }
.LBB2_5:
0xd7: {  	s23 =	sand.u32 $0x1C00, s31;
	s28 =	sand.u32 $0x380, s19;
	s30 =	sadd.s32 $0x8, s30;
	v7 =	vmul.f32 v7, v2;
	v10 =	vld [tilespmem:s25+$0x2250];
	[tilespmem:s29+$0x2260] =	vst v9  }
0xd8: {  	s29 =	smov.u32 s25;
	p0 =	slt.u32 s30, $0x1F8;
	v6 =	vmul.f32 v6, v2;
	v9 =	vld [tilespmem:s25+$0x2260];
	[tilespmem:s25+$0x2270] =	vst v8;
	s25 =	sor.u32 s28, s23  }
0xd9: {  	v8 =	vld [tilespmem:s25+$0x2270];
	[tilespmem:s29+$0x2200] =	vst v7;
	v3 =	vmul.f32 v3, v2  }
.Ltmp1:
0xda: {  	v7 =	vld [tilespmem:s25+$0x2200];
	[tilespmem:s29+$0x2210] =	vst v6;
	v4 =	vmul.f32 v4, v2;
	(pc) =	sbr.rel @p0 .LBB2_5-.Ltmp1, $4  }
0xdb: {  	v6 =	vld [tilespmem:s25+$0x2210];
	[tilespmem:s29+$0x2220] =	vst v3;
	v5 =	vmul.f32 v5, v2  }
0xdc: {  	v3 =	vld [tilespmem:s25+$0x2220];
	[tilespmem:s29+$0x2230] =	vst v4;
	v10 =	vmul.f32 v10, v2  }
0xdd: {  	v4 =	vld [tilespmem:s25+$0x2230];
	[tilespmem:s29+$0x2240] =	vst v5;
	v9 =	vmul.f32 v9, v2  }
0xde: {  	s31 =	sadd.s32 $0x400, s31;
	s19 =	sadd.s32 $0x10, s19;
	v5 =	vld [tilespmem:s25+$0x2240];
	v8 =	vmul.f32 v8, v2;
	[tilespmem:s29+$0x2250] =	vst v10  }
0xdf: {  	v7 =	vmul.f32 v7, v2;
	v10 =	vld [tilespmem:s25+$0x2250];
	[tilespmem:s29+$0x2260] =	vst v9  }
0xe0: {  	v9 =	vld [tilespmem:s25+$0x2260];
	v6 =	vmul.f32 v6, v2;
	[tilespmem:s25+$0x2270] =	vst v8  }
0xe1: {  	[tilespmem:s25+$0x2200] =	vst v7;
	v3 =	vmul.f32 v3, v2  }
0xe2: {  	[tilespmem:s25+$0x2210] =	vst v6;
	v4 =	vmul.f32 v4, v2  }
0xe3: {  	[tilespmem:s25+$0x2220] =	vst v3;
	v3 =	vmul.f32 v5, v2  }
0xe4: {  	s13 =	sshll.u32 s13, $0xD;
	[tilespmem:s25+$0x2230] =	vst v4;
	v4 =	vmul.f32 v10, v2  }
0xe5: {  	s13 =	sadd.s32 s10, s13;
	[tilespmem:s25+$0x2240] =	vst v3;
	v3 =	vmul.f32 v9, v2  }
0xe6: {  	s13 =	sshrl.u32 s13, $0x3;
	[tilespmem:s25+$0x2250] =	vst v4  }
0xe7: {  	s19 =	simm.s32 $0x2200;
	s13 =	sadd.s32 s2, s13;
	[tilespmem:s25+$0x2260] =	vst v3  }
0xe8: {  	[hbm4b:s13+s4] =	stream.linear.scatter [tilespmem:s19], [sflag:$0xA], $0x2000, $0x38;
	[tilespmem:$0x10280] =	vst v63  }
0xe9: {  	s13 =	sor.u32 $0x2, s6  }
0xea: {  	p0 =	sgt.u32 s13, $0x38  }
0xeb: {  	s19 =	simm.s32 @!p0 $0xA  }
0xec: {  	_ =	swait.ge @!p0 [sflag:s19], $0x2000  }
0xed: {  	[sflag:s19] =	ssyncset.done @!p0 $0x0  }
0xee: {  	[sflag:s19] =	ssyncadd.s32 @!p0 $0xFFFFE000  }
0xef: {  	v3 =	vld.msk @!p0 [tilespmem:s11+$0x48], $0xff;
	_ =	sdelay $0x4  }
0xf0: {  	v4 =	vshll.u32 @!p0 v3, $0x3  }
0xf1: {  	v5 =	vlaneseq.u32 @!p0;
	v3 =	vand.u32 @!p0 $0x7, v3;
	v4 =	vand.u32 @!p0 $0xFFFFFFC0, v4  }
0xf2: {  	v3 =	vor.u32 @!p0 v3, v4;
	v4 =	vand.u32 @!p0 $0x7, v5;
	v5 =	vshrl.u32 @!p0 v5, $0x3  }
0xf3: {  	v3 =	vperm.xlane @!p0 v3, v4;
	v4 =	vmul.u32 @!p0 $0x8, v5;
	_ =	sdelay $0x1  }
0xf4: {  	v3 =	vadd.s32 @!p0 v4, v3;
	_ =	sdelay $0x3  }
0xf5: {  	vm1 =	vmmov @!p0 $0xffff;
	s23 =	simm.s32 @!p0 $0x2200;
	s19 =	simm.s32 @!p0 $0x0  }
0xf6: {  	[tilespmem:s23], [sflag:$0x2] =	stream.indirect_vreg.gather @!p0 [hbm4b:s1+s19], $0x80, v3, vm1, $0xb8;
	[tilespmem:$0x10280] =	vst v63  }
0xf7: {  	s23 =	simm.s32 @!p0 $0x2A00  }
0xf8: {  	[tilespmem:s23], [sflag:$0x2] =	stream.indirect_vreg.gather @!p0 [hbm4b:s7+s19], $0x80, v3, vm1, $0xb8;
	[tilespmem:$0x10280] =	vst v63  }
0xf9: {  	s23 =	simm.s32 @!p0 $0x3200  }
0xfa: {  	[tilespmem:s23], [sflag:$0x2] =	stream.indirect_vreg.gather @!p0 [hbm4b:s8+s19], $0x80, v3, vm1, $0xb8;
	[tilespmem:$0x10280] =	vst v63  }
0xfb: {  	s23 =	simm.s32 @!p0 $0x3A00  }
0xfc: {  	[tilespmem:s23], [sflag:$0x2] =	stream.indirect_vreg.gather @!p0 [hbm4b:s9+s19], $0x80, v3, vm1, $0xb8;
	[tilespmem:$0x10280] =	vst v63  }
0xfd: {  	s25 =	simm.s32 $0x0;
	_ =	swait.ge [sflag:s14], $0x2000  }
0xfe: {  	s28 =	sand.u32 $0x1C00, s25;
	s19 =	sand.u32 $0x380, s25;
	[sflag:s14] =	ssyncset.done $0x0  }
0xff: {  	s29 =	sor.u32 s19, s28;
	[sflag:s14] =	ssyncadd.s32 $0xFFFFE000  }
0x100: {  	v3 =	vld [tilespmem:s29+$0x4270]  }
0x101: {  	v4 =	vld [tilespmem:s29+$0x4200]  }
0x102: {  	v5 =	vld [tilespmem:s29+$0x4210]  }
0x103: {  	v10 =	vld [tilespmem:s29+$0x4250]  }
0x104: {  	v6 =	vld [tilespmem:s29+$0x4220]  }
0x105: {  	s25 =	simm.s32 $0x400;
	s28 =	simm.s32 $0x10;
	v8 =	vld [tilespmem:s29+$0x4230];
	v3 =	vmul.f32 v3, v2  }
0x106: {  	s19 =	sand.u32 $0x1C00, s25;
	s23 =	sand.u32 $0x380, s28;
	v9 =	vld [tilespmem:s29+$0x4240];
	v4 =	vmul.f32 v4, v2  }
0x107: {  	s25 =	sor.u32 s23, s19;
	v11 =	vld [tilespmem:s29+$0x4260];
	v5 =	vmul.f32 v5, v2;
	[tilespmem:s29+$0x4270] =	vst v3  }
0x108: {  	v12 =	vld [tilespmem:s25+$0x4270];
	v10 =	vmul.f32 v10, v2;
	[tilespmem:s29+$0x4200] =	vst v4  }
0x109: {  	v7 =	vld [tilespmem:s25+$0x4200];
	v3 =	vmul.f32 v6, v2;
	[tilespmem:s29+$0x4210] =	vst v5  }
0x10a: {  	v4 =	vmul.f32 v8, v2;
	v6 =	vld [tilespmem:s25+$0x4210];
	[tilespmem:s29+$0x4250] =	vst v10  }
0x10b: {  	v5 =	vmul.f32 v9, v2;
	[tilespmem:s29+$0x4220] =	vst v3;
	v3 =	vld [tilespmem:s25+$0x4220]  }
0x10c: {  	v9 =	vmul.f32 v11, v2;
	[tilespmem:s29+$0x4230] =	vst v4;
	v4 =	vld [tilespmem:s25+$0x4230]  }
0x10d: {  	s30 =	simm.s32 $0x8;
	s31 =	simm.s32 $0x800;
	s19 =	simm.s32 $0x20;
	v8 =	vmul.f32 v12, v2;
	[tilespmem:s29+$0x4240] =	vst v5;
	v5 =	vld [tilespmem:s25+$0x4240]  }
.LBB2_7:
0x10e: {  	s23 =	sand.u32 $0x1C00, s31;
	s28 =	sand.u32 $0x380, s19;
	s30 =	sadd.s32 $0x8, s30;
	v7 =	vmul.f32 v7, v2;
	v10 =	vld [tilespmem:s25+$0x4250];
	[tilespmem:s29+$0x4260] =	vst v9  }
0x10f: {  	s29 =	smov.u32 s25;
	p0 =	slt.u32 s30, $0x1F8;
	v6 =	vmul.f32 v6, v2;
	v9 =	vld [tilespmem:s25+$0x4260];
	[tilespmem:s25+$0x4270] =	vst v8;
	s25 =	sor.u32 s28, s23  }
0x110: {  	v8 =	vld [tilespmem:s25+$0x4270];
	[tilespmem:s29+$0x4200] =	vst v7;
	v3 =	vmul.f32 v3, v2  }
.Ltmp2:
0x111: {  	v7 =	vld [tilespmem:s25+$0x4200];
	[tilespmem:s29+$0x4210] =	vst v6;
	v4 =	vmul.f32 v4, v2;
	(pc) =	sbr.rel @p0 .LBB2_7-.Ltmp2, $4  }
0x112: {  	v6 =	vld [tilespmem:s25+$0x4210];
	[tilespmem:s29+$0x4220] =	vst v3;
	v5 =	vmul.f32 v5, v2  }
0x113: {  	v3 =	vld [tilespmem:s25+$0x4220];
	[tilespmem:s29+$0x4230] =	vst v4;
	v10 =	vmul.f32 v10, v2  }
0x114: {  	v4 =	vld [tilespmem:s25+$0x4230];
	[tilespmem:s29+$0x4240] =	vst v5;
	v9 =	vmul.f32 v9, v2  }
0x115: {  	s31 =	sadd.s32 $0x400, s31;
	s19 =	sadd.s32 $0x10, s19;
	v5 =	vld [tilespmem:s25+$0x4240];
	v8 =	vmul.f32 v8, v2;
	[tilespmem:s29+$0x4250] =	vst v10  }
0x116: {  	v7 =	vmul.f32 v7, v2;
	v10 =	vld [tilespmem:s25+$0x4250];
	[tilespmem:s29+$0x4260] =	vst v9  }
0x117: {  	v9 =	vld [tilespmem:s25+$0x4260];
	v6 =	vmul.f32 v6, v2;
	[tilespmem:s25+$0x4270] =	vst v8  }
0x118: {  	[tilespmem:s25+$0x4200] =	vst v7;
	v3 =	vmul.f32 v3, v2  }
0x119: {  	[tilespmem:s25+$0x4210] =	vst v6;
	v4 =	vmul.f32 v4, v2  }
0x11a: {  	[tilespmem:s25+$0x4220] =	vst v3;
	v3 =	vmul.f32 v5, v2  }
0x11b: {  	s13 =	sshll.u32 s13, $0xD;
	[tilespmem:s25+$0x4230] =	vst v4;
	v4 =	vmul.f32 v10, v2  }
0x11c: {  	s13 =	sadd.s32 s10, s13;
	[tilespmem:s25+$0x4240] =	vst v3;
	v3 =	vmul.f32 v9, v2  }
0x11d: {  	s13 =	sshrl.u32 s13, $0x3;
	[tilespmem:s25+$0x4250] =	vst v4  }
0x11e: {  	s19 =	simm.s32 $0x4200;
	s13 =	sadd.s32 s2, s13;
	[tilespmem:s25+$0x4260] =	vst v3  }
0x11f: {  	[hbm4b:s13+s4] =	stream.linear.scatter [tilespmem:s19], [sflag:$0xB], $0x2000, $0x38;
	[tilespmem:$0x10280] =	vst v63  }
0x120: {  	s13 =	sor.u32 $0x3, s6  }
0x121: {  	p0 =	sgt.u32 s13, $0x38  }
0x122: {  	s19 =	simm.s32 @!p0 $0xB  }
0x123: {  	_ =	swait.ge @!p0 [sflag:s19], $0x2000  }
0x124: {  	[sflag:s19] =	ssyncset.done @!p0 $0x0  }
0x125: {  	[sflag:s19] =	ssyncadd.s32 @!p0 $0xFFFFE000  }
0x126: {  	v3 =	vld.msk @!p0 [tilespmem:s11+$0x50], $0xff;
	_ =	sdelay $0x4  }
0x127: {  	v4 =	vshll.u32 @!p0 v3, $0x3  }
0x128: {  	v5 =	vlaneseq.u32 @!p0;
	v3 =	vand.u32 @!p0 $0x7, v3;
	v4 =	vand.u32 @!p0 $0xFFFFFFC0, v4  }
0x129: {  	v3 =	vor.u32 @!p0 v3, v4;
	v4 =	vand.u32 @!p0 $0x7, v5;
	v5 =	vshrl.u32 @!p0 v5, $0x3  }
0x12a: {  	v3 =	vperm.xlane @!p0 v3, v4;
	v4 =	vmul.u32 @!p0 $0x8, v5;
	_ =	sdelay $0x1  }
0x12b: {  	v3 =	vadd.s32 @!p0 v4, v3;
	_ =	sdelay $0x3  }
0x12c: {  	vm1 =	vmmov @!p0 $0xffff;
	s23 =	simm.s32 @!p0 $0x4200;
	s19 =	simm.s32 @!p0 $0x0  }
0x12d: {  	[tilespmem:s23], [sflag:$0x3] =	stream.indirect_vreg.gather @!p0 [hbm4b:s1+s19], $0x80, v3, vm1, $0xb8;
	[tilespmem:$0x10280] =	vst v63  }
0x12e: {  	s23 =	simm.s32 @!p0 $0x4A00  }
0x12f: {  	[tilespmem:s23], [sflag:$0x3] =	stream.indirect_vreg.gather @!p0 [hbm4b:s7+s19], $0x80, v3, vm1, $0xb8;
	[tilespmem:$0x10280] =	vst v63  }
0x130: {  	s23 =	simm.s32 @!p0 $0x5200  }
0x131: {  	[tilespmem:s23], [sflag:$0x3] =	stream.indirect_vreg.gather @!p0 [hbm4b:s8+s19], $0x80, v3, vm1, $0xb8;
	[tilespmem:$0x10280] =	vst v63  }
0x132: {  	s23 =	simm.s32 @!p0 $0x5A00  }
0x133: {  	[tilespmem:s23], [sflag:$0x3] =	stream.indirect_vreg.gather @!p0 [hbm4b:s9+s19], $0x80, v3, vm1, $0xb8;
	[tilespmem:$0x10280] =	vst v63  }
0x134: {  	s25 =	simm.s32 $0x0;
	_ =	swait.ge [sflag:s17], $0x2000  }
0x135: {  	s28 =	sand.u32 $0x1C00, s25;
	s19 =	sand.u32 $0x380, s25;
	[sflag:s17] =	ssyncset.done $0x0  }
0x136: {  	s29 =	sor.u32 s19, s28;
	[sflag:s17] =	ssyncadd.s32 $0xFFFFE000  }
0x137: {  	v3 =	vld [tilespmem:s29+$0x6270]  }
0x138: {  	v4 =	vld [tilespmem:s29+$0x6200]  }
0x139: {  	v5 =	vld [tilespmem:s29+$0x6210]  }
0x13a: {  	v10 =	vld [tilespmem:s29+$0x6250]  }
0x13b: {  	v6 =	vld [tilespmem:s29+$0x6220]  }
0x13c: {  	s25 =	simm.s32 $0x400;
	s28 =	simm.s32 $0x10;
	v8 =	vld [tilespmem:s29+$0x6230];
	v3 =	vmul.f32 v3, v2  }
0x13d: {  	s19 =	sand.u32 $0x1C00, s25;
	s23 =	sand.u32 $0x380, s28;
	v9 =	vld [tilespmem:s29+$0x6240];
	v4 =	vmul.f32 v4, v2  }
0x13e: {  	s25 =	sor.u32 s23, s19;
	v11 =	vld [tilespmem:s29+$0x6260];
	v5 =	vmul.f32 v5, v2;
	[tilespmem:s29+$0x6270] =	vst v3  }
0x13f: {  	v12 =	vld [tilespmem:s25+$0x6270];
	v10 =	vmul.f32 v10, v2;
	[tilespmem:s29+$0x6200] =	vst v4  }
0x140: {  	v7 =	vld [tilespmem:s25+$0x6200];
	v3 =	vmul.f32 v6, v2;
	[tilespmem:s29+$0x6210] =	vst v5  }
0x141: {  	v4 =	vmul.f32 v8, v2;
	v6 =	vld [tilespmem:s25+$0x6210];
	[tilespmem:s29+$0x6250] =	vst v10  }
0x142: {  	v5 =	vmul.f32 v9, v2;
	[tilespmem:s29+$0x6220] =	vst v3;
	v3 =	vld [tilespmem:s25+$0x6220]  }
0x143: {  	v9 =	vmul.f32 v11, v2;
	[tilespmem:s29+$0x6230] =	vst v4;
	v4 =	vld [tilespmem:s25+$0x6230]  }
0x144: {  	s30 =	simm.s32 $0x8;
	s31 =	simm.s32 $0x800;
	s19 =	simm.s32 $0x20;
	v8 =	vmul.f32 v12, v2;
	[tilespmem:s29+$0x6240] =	vst v5;
	v5 =	vld [tilespmem:s25+$0x6240]  }
.LBB2_9:
0x145: {  	s23 =	sand.u32 $0x1C00, s31;
	s28 =	sand.u32 $0x380, s19;
	s30 =	sadd.s32 $0x8, s30;
	v7 =	vmul.f32 v7, v2;
	v10 =	vld [tilespmem:s25+$0x6250];
	[tilespmem:s29+$0x6260] =	vst v9  }
0x146: {  	s29 =	smov.u32 s25;
	p0 =	slt.u32 s30, $0x1F8;
	v6 =	vmul.f32 v6, v2;
	v9 =	vld [tilespmem:s25+$0x6260];
	[tilespmem:s25+$0x6270] =	vst v8;
	s25 =	sor.u32 s28, s23  }
0x147: {  	v8 =	vld [tilespmem:s25+$0x6270];
	[tilespmem:s29+$0x6200] =	vst v7;
	v3 =	vmul.f32 v3, v2  }
.Ltmp3:
0x148: {  	v7 =	vld [tilespmem:s25+$0x6200];
	[tilespmem:s29+$0x6210] =	vst v6;
	v4 =	vmul.f32 v4, v2;
	(pc) =	sbr.rel @p0 .LBB2_9-.Ltmp3, $4  }
0x149: {  	v6 =	vld [tilespmem:s25+$0x6210];
	[tilespmem:s29+$0x6220] =	vst v3;
	v5 =	vmul.f32 v5, v2  }
0x14a: {  	v3 =	vld [tilespmem:s25+$0x6220];
	[tilespmem:s29+$0x6230] =	vst v4;
	v10 =	vmul.f32 v10, v2  }
0x14b: {  	v4 =	vld [tilespmem:s25+$0x6230];
	[tilespmem:s29+$0x6240] =	vst v5;
	v9 =	vmul.f32 v9, v2  }
0x14c: {  	s31 =	sadd.s32 $0x400, s31;
	s19 =	sadd.s32 $0x10, s19;
	v5 =	vld [tilespmem:s25+$0x6240];
	v8 =	vmul.f32 v8, v2;
	[tilespmem:s29+$0x6250] =	vst v10  }
0x14d: {  	v7 =	vmul.f32 v7, v2;
	v10 =	vld [tilespmem:s25+$0x6250];
	[tilespmem:s29+$0x6260] =	vst v9  }
0x14e: {  	v9 =	vld [tilespmem:s25+$0x6260];
	v6 =	vmul.f32 v6, v2;
	[tilespmem:s25+$0x6270] =	vst v8  }
0x14f: {  	[tilespmem:s25+$0x6200] =	vst v7;
	v3 =	vmul.f32 v3, v2  }
0x150: {  	[tilespmem:s25+$0x6210] =	vst v6;
	v4 =	vmul.f32 v4, v2  }
0x151: {  	[tilespmem:s25+$0x6220] =	vst v3;
	v3 =	vmul.f32 v5, v2  }
0x152: {  	s13 =	sshll.u32 s13, $0xD;
	[tilespmem:s25+$0x6230] =	vst v4;
	v4 =	vmul.f32 v10, v2  }
0x153: {  	s13 =	sadd.s32 s10, s13;
	[tilespmem:s25+$0x6240] =	vst v3;
	v3 =	vmul.f32 v9, v2  }
0x154: {  	s13 =	sshrl.u32 s13, $0x3;
	[tilespmem:s25+$0x6250] =	vst v4  }
0x155: {  	s19 =	simm.s32 $0x6200;
	s13 =	sadd.s32 s2, s13;
	[tilespmem:s25+$0x6260] =	vst v3  }
0x156: {  	[hbm4b:s13+s4] =	stream.linear.scatter [tilespmem:s19], [sflag:$0xC], $0x2000, $0x38;
	[tilespmem:$0x10280] =	vst v63  }
0x157: {  	s13 =	sor.u32 $0x4, s6  }
0x158: {  	p0 =	sgt.u32 s13, $0x38  }
0x159: {  	s19 =	simm.s32 @!p0 $0xC  }
0x15a: {  	_ =	swait.ge @!p0 [sflag:s19], $0x2000  }
0x15b: {  	[sflag:s19] =	ssyncset.done @!p0 $0x0  }
0x15c: {  	[sflag:s19] =	ssyncadd.s32 @!p0 $0xFFFFE000  }
0x15d: {  	v3 =	vld.msk @!p0 [tilespmem:s11+$0x58], $0xff;
	_ =	sdelay $0x4  }
0x15e: {  	v4 =	vshll.u32 @!p0 v3, $0x3  }
0x15f: {  	v5 =	vlaneseq.u32 @!p0;
	v3 =	vand.u32 @!p0 $0x7, v3;
	v4 =	vand.u32 @!p0 $0xFFFFFFC0, v4  }
0x160: {  	v3 =	vor.u32 @!p0 v3, v4;
	v4 =	vand.u32 @!p0 $0x7, v5;
	v5 =	vshrl.u32 @!p0 v5, $0x3  }
0x161: {  	v3 =	vperm.xlane @!p0 v3, v4;
	v4 =	vmul.u32 @!p0 $0x8, v5;
	_ =	sdelay $0x1  }
0x162: {  	v3 =	vadd.s32 @!p0 v4, v3;
	_ =	sdelay $0x3  }
0x163: {  	vm1 =	vmmov @!p0 $0xffff;
	s23 =	simm.s32 @!p0 $0x6200;
	s19 =	simm.s32 @!p0 $0x0  }
0x164: {  	[tilespmem:s23], [sflag:$0x4] =	stream.indirect_vreg.gather @!p0 [hbm4b:s1+s19], $0x80, v3, vm1, $0xb8;
	[tilespmem:$0x10280] =	vst v63  }
0x165: {  	s23 =	simm.s32 @!p0 $0x6A00  }
0x166: {  	[tilespmem:s23], [sflag:$0x4] =	stream.indirect_vreg.gather @!p0 [hbm4b:s7+s19], $0x80, v3, vm1, $0xb8;
	[tilespmem:$0x10280] =	vst v63  }
0x167: {  	s23 =	simm.s32 @!p0 $0x7200  }
0x168: {  	[tilespmem:s23], [sflag:$0x4] =	stream.indirect_vreg.gather @!p0 [hbm4b:s8+s19], $0x80, v3, vm1, $0xb8;
	[tilespmem:$0x10280] =	vst v63  }
0x169: {  	s23 =	simm.s32 @!p0 $0x7A00  }
0x16a: {  	[tilespmem:s23], [sflag:$0x4] =	stream.indirect_vreg.gather @!p0 [hbm4b:s9+s19], $0x80, v3, vm1, $0xb8;
	[tilespmem:$0x10280] =	vst v63  }
0x16b: {  	s25 =	simm.s32 $0x0;
	_ =	swait.ge [sflag:s18], $0x2000  }
0x16c: {  	s28 =	sand.u32 $0x1C00, s25;
	s19 =	sand.u32 $0x380, s25;
	[sflag:s18] =	ssyncset.done $0x0  }
0x16d: {  	s29 =	sor.u32 s19, s28;
	[sflag:s18] =	ssyncadd.s32 $0xFFFFE000  }
0x16e: {  	v3 =	vld [tilespmem:s29+$0x8270]  }
0x16f: {  	v4 =	vld [tilespmem:s29+$0x8200]  }
0x170: {  	v5 =	vld [tilespmem:s29+$0x8210]  }
0x171: {  	v10 =	vld [tilespmem:s29+$0x8250]  }
0x172: {  	v6 =	vld [tilespmem:s29+$0x8220]  }
0x173: {  	s25 =	simm.s32 $0x400;
	s28 =	simm.s32 $0x10;
	v8 =	vld [tilespmem:s29+$0x8230];
	v3 =	vmul.f32 v3, v2  }
0x174: {  	s19 =	sand.u32 $0x1C00, s25;
	s23 =	sand.u32 $0x380, s28;
	v9 =	vld [tilespmem:s29+$0x8240];
	v4 =	vmul.f32 v4, v2  }
0x175: {  	s25 =	sor.u32 s23, s19;
	v11 =	vld [tilespmem:s29+$0x8260];
	v5 =	vmul.f32 v5, v2;
	[tilespmem:s29+$0x8270] =	vst v3  }
0x176: {  	v12 =	vld [tilespmem:s25+$0x8270];
	v10 =	vmul.f32 v10, v2;
	[tilespmem:s29+$0x8200] =	vst v4  }
0x177: {  	v7 =	vld [tilespmem:s25+$0x8200];
	v3 =	vmul.f32 v6, v2;
	[tilespmem:s29+$0x8210] =	vst v5  }
0x178: {  	v4 =	vmul.f32 v8, v2;
	v6 =	vld [tilespmem:s25+$0x8210];
	[tilespmem:s29+$0x8250] =	vst v10  }
0x179: {  	v5 =	vmul.f32 v9, v2;
	[tilespmem:s29+$0x8220] =	vst v3;
	v3 =	vld [tilespmem:s25+$0x8220]  }
0x17a: {  	v9 =	vmul.f32 v11, v2;
	[tilespmem:s29+$0x8230] =	vst v4;
	v4 =	vld [tilespmem:s25+$0x8230]  }
0x17b: {  	s30 =	simm.s32 $0x8;
	s31 =	simm.s32 $0x800;
	s19 =	simm.s32 $0x20;
	v8 =	vmul.f32 v12, v2;
	[tilespmem:s29+$0x8240] =	vst v5;
	v5 =	vld [tilespmem:s25+$0x8240]  }
.LBB2_11:
0x17c: {  	s23 =	sand.u32 $0x1C00, s31;
	s28 =	sand.u32 $0x380, s19;
	s30 =	sadd.s32 $0x8, s30;
	v7 =	vmul.f32 v7, v2;
	v10 =	vld [tilespmem:s25+$0x8250];
	[tilespmem:s29+$0x8260] =	vst v9  }
0x17d: {  	s29 =	smov.u32 s25;
	p0 =	slt.u32 s30, $0x1F8;
	v6 =	vmul.f32 v6, v2;
	v9 =	vld [tilespmem:s25+$0x8260];
	[tilespmem:s25+$0x8270] =	vst v8;
	s25 =	sor.u32 s28, s23  }
0x17e: {  	v8 =	vld [tilespmem:s25+$0x8270];
	[tilespmem:s29+$0x8200] =	vst v7;
	v3 =	vmul.f32 v3, v2  }
.Ltmp4:
0x17f: {  	v7 =	vld [tilespmem:s25+$0x8200];
	[tilespmem:s29+$0x8210] =	vst v6;
	v4 =	vmul.f32 v4, v2;
	(pc) =	sbr.rel @p0 .LBB2_11-.Ltmp4, $4  }
0x180: {  	v6 =	vld [tilespmem:s25+$0x8210];
	[tilespmem:s29+$0x8220] =	vst v3;
	v5 =	vmul.f32 v5, v2  }
0x181: {  	v3 =	vld [tilespmem:s25+$0x8220];
	[tilespmem:s29+$0x8230] =	vst v4;
	v10 =	vmul.f32 v10, v2  }
0x182: {  	v4 =	vld [tilespmem:s25+$0x8230];
	[tilespmem:s29+$0x8240] =	vst v5;
	v9 =	vmul.f32 v9, v2  }
0x183: {  	s31 =	sadd.s32 $0x400, s31;
	s19 =	sadd.s32 $0x10, s19;
	v5 =	vld [tilespmem:s25+$0x8240];
	v8 =	vmul.f32 v8, v2;
	[tilespmem:s29+$0x8250] =	vst v10  }
0x184: {  	v7 =	vmul.f32 v7, v2;
	v10 =	vld [tilespmem:s25+$0x8250];
	[tilespmem:s29+$0x8260] =	vst v9  }
0x185: {  	v9 =	vld [tilespmem:s25+$0x8260];
	v6 =	vmul.f32 v6, v2;
	[tilespmem:s25+$0x8270] =	vst v8  }
0x186: {  	[tilespmem:s25+$0x8200] =	vst v7;
	v3 =	vmul.f32 v3, v2  }
0x187: {  	[tilespmem:s25+$0x8210] =	vst v6;
	v4 =	vmul.f32 v4, v2  }
0x188: {  	[tilespmem:s25+$0x8220] =	vst v3;
	v3 =	vmul.f32 v5, v2  }
0x189: {  	s13 =	sshll.u32 s13, $0xD;
	[tilespmem:s25+$0x8230] =	vst v4;
	v4 =	vmul.f32 v10, v2  }
0x18a: {  	s13 =	sadd.s32 s10, s13;
	[tilespmem:s25+$0x8240] =	vst v3;
	v3 =	vmul.f32 v9, v2  }
0x18b: {  	s13 =	sshrl.u32 s13, $0x3;
	[tilespmem:s25+$0x8250] =	vst v4  }
0x18c: {  	s13 =	sadd.s32 s2, s13;
	[tilespmem:s25+$0x8260] =	vst v3  }
0x18d: {  	[hbm4b:s13+s4] =	stream.linear.scatter [tilespmem:s0], [sflag:$0xD], $0x2000, $0x38;
	[tilespmem:$0x10280] =	vst v63  }
0x18e: {  	s13 =	sor.u32 $0x5, s6  }
0x18f: {  	p0 =	sgt.u32 s13, $0x38  }
0x190: {  	s19 =	simm.s32 @!p0 $0xD  }
0x191: {  	_ =	swait.ge @!p0 [sflag:s19], $0x2000  }
0x192: {  	[sflag:s19] =	ssyncset.done @!p0 $0x0  }
0x193: {  	[sflag:s19] =	ssyncadd.s32 @!p0 $0xFFFFE000  }
0x194: {  	v3 =	vld.msk @!p0 [tilespmem:s11+$0x60], $0xff;
	_ =	sdelay $0x4  }
0x195: {  	v4 =	vshll.u32 @!p0 v3, $0x3  }
0x196: {  	v5 =	vlaneseq.u32 @!p0;
	v3 =	vand.u32 @!p0 $0x7, v3;
	v4 =	vand.u32 @!p0 $0xFFFFFFC0, v4  }
0x197: {  	v3 =	vor.u32 @!p0 v3, v4;
	v4 =	vand.u32 @!p0 $0x7, v5;
	v5 =	vshrl.u32 @!p0 v5, $0x3  }
0x198: {  	v3 =	vperm.xlane @!p0 v3, v4;
	v4 =	vmul.u32 @!p0 $0x8, v5;
	_ =	sdelay $0x1  }
0x199: {  	v3 =	vadd.s32 @!p0 v4, v3;
	_ =	sdelay $0x3  }
0x19a: {  	vm1 =	vmmov @!p0 $0xffff;
	s23 =	simm.s32 @!p0 $0x8200;
	s19 =	simm.s32 @!p0 $0x0  }
0x19b: {  	[tilespmem:s23], [sflag:$0x5] =	stream.indirect_vreg.gather @!p0 [hbm4b:s1+s19], $0x80, v3, vm1, $0xb8;
	[tilespmem:$0x10280] =	vst v63  }
0x19c: {  	s23 =	simm.s32 @!p0 $0x8A00  }
0x19d: {  	[tilespmem:s23], [sflag:$0x5] =	stream.indirect_vreg.gather @!p0 [hbm4b:s7+s19], $0x80, v3, vm1, $0xb8;
	[tilespmem:$0x10280] =	vst v63  }
0x19e: {  	s23 =	simm.s32 @!p0 $0x9200  }
0x19f: {  	[tilespmem:s23], [sflag:$0x5] =	stream.indirect_vreg.gather @!p0 [hbm4b:s8+s19], $0x80, v3, vm1, $0xb8;
	[tilespmem:$0x10280] =	vst v63  }
0x1a0: {  	s23 =	simm.s32 @!p0 $0x9A00  }
0x1a1: {  	[tilespmem:s23], [sflag:$0x5] =	stream.indirect_vreg.gather @!p0 [hbm4b:s9+s19], $0x80, v3, vm1, $0xb8;
	[tilespmem:$0x10280] =	vst v63  }
0x1a2: {  	s25 =	simm.s32 $0x0;
	_ =	swait.ge [sflag:s20], $0x2000  }
0x1a3: {  	s28 =	sand.u32 $0x1C00, s25;
	s19 =	sand.u32 $0x380, s25;
	[sflag:s20] =	ssyncset.done $0x0  }
0x1a4: {  	s29 =	sor.u32 s19, s28;
	[sflag:s20] =	ssyncadd.s32 $0xFFFFE000  }
0x1a5: {  	v3 =	vld [tilespmem:s29+$0xA270]  }
0x1a6: {  	v4 =	vld [tilespmem:s29+$0xA200]  }
0x1a7: {  	v5 =	vld [tilespmem:s29+$0xA210]  }
0x1a8: {  	v10 =	vld [tilespmem:s29+$0xA250]  }
0x1a9: {  	v6 =	vld [tilespmem:s29+$0xA220]  }
0x1aa: {  	s25 =	simm.s32 $0x400;
	s28 =	simm.s32 $0x10;
	v8 =	vld [tilespmem:s29+$0xA230];
	v3 =	vmul.f32 v3, v2  }
0x1ab: {  	s19 =	sand.u32 $0x1C00, s25;
	s23 =	sand.u32 $0x380, s28;
	v9 =	vld [tilespmem:s29+$0xA240];
	v4 =	vmul.f32 v4, v2  }
0x1ac: {  	s25 =	sor.u32 s23, s19;
	v11 =	vld [tilespmem:s29+$0xA260];
	v5 =	vmul.f32 v5, v2;
	[tilespmem:s29+$0xA270] =	vst v3  }
0x1ad: {  	v12 =	vld [tilespmem:s25+$0xA270];
	v10 =	vmul.f32 v10, v2;
	[tilespmem:s29+$0xA200] =	vst v4  }
0x1ae: {  	v7 =	vld [tilespmem:s25+$0xA200];
	v3 =	vmul.f32 v6, v2;
	[tilespmem:s29+$0xA210] =	vst v5  }
0x1af: {  	v4 =	vmul.f32 v8, v2;
	v6 =	vld [tilespmem:s25+$0xA210];
	[tilespmem:s29+$0xA250] =	vst v10  }
0x1b0: {  	v5 =	vmul.f32 v9, v2;
	[tilespmem:s29+$0xA220] =	vst v3;
	v3 =	vld [tilespmem:s25+$0xA220]  }
0x1b1: {  	v9 =	vmul.f32 v11, v2;
	[tilespmem:s29+$0xA230] =	vst v4;
	v4 =	vld [tilespmem:s25+$0xA230]  }
0x1b2: {  	s30 =	simm.s32 $0x8;
	s31 =	simm.s32 $0x800;
	s19 =	simm.s32 $0x20;
	v8 =	vmul.f32 v12, v2;
	[tilespmem:s29+$0xA240] =	vst v5;
	v5 =	vld [tilespmem:s25+$0xA240]  }
.LBB2_13:
0x1b3: {  	s23 =	sand.u32 $0x1C00, s31;
	s28 =	sand.u32 $0x380, s19;
	s30 =	sadd.s32 $0x8, s30;
	v7 =	vmul.f32 v7, v2;
	v10 =	vld [tilespmem:s25+$0xA250];
	[tilespmem:s29+$0xA260] =	vst v9  }
0x1b4: {  	s29 =	smov.u32 s25;
	p0 =	slt.u32 s30, $0x1F8;
	v6 =	vmul.f32 v6, v2;
	v9 =	vld [tilespmem:s25+$0xA260];
	[tilespmem:s25+$0xA270] =	vst v8;
	s25 =	sor.u32 s28, s23  }
0x1b5: {  	v8 =	vld [tilespmem:s25+$0xA270];
	[tilespmem:s29+$0xA200] =	vst v7;
	v3 =	vmul.f32 v3, v2  }
.Ltmp5:
0x1b6: {  	v7 =	vld [tilespmem:s25+$0xA200];
	[tilespmem:s29+$0xA210] =	vst v6;
	v4 =	vmul.f32 v4, v2;
	(pc) =	sbr.rel @p0 .LBB2_13-.Ltmp5, $4  }
0x1b7: {  	v6 =	vld [tilespmem:s25+$0xA210];
	[tilespmem:s29+$0xA220] =	vst v3;
	v5 =	vmul.f32 v5, v2  }
0x1b8: {  	v3 =	vld [tilespmem:s25+$0xA220];
	[tilespmem:s29+$0xA230] =	vst v4;
	v10 =	vmul.f32 v10, v2  }
0x1b9: {  	v4 =	vld [tilespmem:s25+$0xA230];
	[tilespmem:s29+$0xA240] =	vst v5;
	v9 =	vmul.f32 v9, v2  }
0x1ba: {  	s31 =	sadd.s32 $0x400, s31;
	s19 =	sadd.s32 $0x10, s19;
	v5 =	vld [tilespmem:s25+$0xA240];
	v8 =	vmul.f32 v8, v2;
	[tilespmem:s29+$0xA250] =	vst v10  }
0x1bb: {  	v7 =	vmul.f32 v7, v2;
	v10 =	vld [tilespmem:s25+$0xA250];
	[tilespmem:s29+$0xA260] =	vst v9  }
0x1bc: {  	v9 =	vld [tilespmem:s25+$0xA260];
	v6 =	vmul.f32 v6, v2;
	[tilespmem:s25+$0xA270] =	vst v8  }
0x1bd: {  	[tilespmem:s25+$0xA200] =	vst v7;
	v3 =	vmul.f32 v3, v2  }
0x1be: {  	[tilespmem:s25+$0xA210] =	vst v6;
	v4 =	vmul.f32 v4, v2  }
0x1bf: {  	[tilespmem:s25+$0xA220] =	vst v3;
	v3 =	vmul.f32 v5, v2  }
0x1c0: {  	s13 =	sshll.u32 s13, $0xD;
	[tilespmem:s25+$0xA230] =	vst v4;
	v4 =	vmul.f32 v10, v2  }
0x1c1: {  	s13 =	sadd.s32 s10, s13;
	[tilespmem:s25+$0xA240] =	vst v3;
	v3 =	vmul.f32 v9, v2  }
0x1c2: {  	s13 =	sshrl.u32 s13, $0x3;
	[tilespmem:s25+$0xA250] =	vst v4  }
0x1c3: {  	s13 =	sadd.s32 s2, s13;
	[tilespmem:s25+$0xA260] =	vst v3  }
0x1c4: {  	[hbm4b:s13+s4] =	stream.linear.scatter [tilespmem:s16], [sflag:$0xE], $0x2000, $0x38;
	[tilespmem:$0x10280] =	vst v63  }
0x1c5: {  	s13 =	sor.u32 $0x6, s6  }
0x1c6: {  	p0 =	sgt.u32 s13, $0x38  }
0x1c7: {  	s19 =	simm.s32 @!p0 $0xE  }
0x1c8: {  	_ =	swait.ge @!p0 [sflag:s19], $0x2000  }
0x1c9: {  	[sflag:s19] =	ssyncset.done @!p0 $0x0  }
0x1ca: {  	[sflag:s19] =	ssyncadd.s32 @!p0 $0xFFFFE000  }
0x1cb: {  	v3 =	vld.msk @!p0 [tilespmem:s11+$0x68], $0xff;
	_ =	sdelay $0x4  }
0x1cc: {  	v4 =	vshll.u32 @!p0 v3, $0x3  }
0x1cd: {  	v5 =	vlaneseq.u32 @!p0;
	v3 =	vand.u32 @!p0 $0x7, v3;
	v4 =	vand.u32 @!p0 $0xFFFFFFC0, v4  }
0x1ce: {  	v3 =	vor.u32 @!p0 v3, v4;
	v4 =	vand.u32 @!p0 $0x7, v5;
	v5 =	vshrl.u32 @!p0 v5, $0x3  }
0x1cf: {  	v3 =	vperm.xlane @!p0 v3, v4;
	v4 =	vmul.u32 @!p0 $0x8, v5;
	_ =	sdelay $0x1  }
0x1d0: {  	v3 =	vadd.s32 @!p0 v4, v3;
	_ =	sdelay $0x3  }
0x1d1: {  	vm1 =	vmmov @!p0 $0xffff;
	s23 =	simm.s32 @!p0 $0xA200;
	s19 =	simm.s32 @!p0 $0x0  }
0x1d2: {  	[tilespmem:s23], [sflag:$0x6] =	stream.indirect_vreg.gather @!p0 [hbm4b:s1+s19], $0x80, v3, vm1, $0xb8;
	[tilespmem:$0x10280] =	vst v63  }
0x1d3: {  	s23 =	simm.s32 @!p0 $0xAA00  }
0x1d4: {  	[tilespmem:s23], [sflag:$0x6] =	stream.indirect_vreg.gather @!p0 [hbm4b:s7+s19], $0x80, v3, vm1, $0xb8;
	[tilespmem:$0x10280] =	vst v63  }
0x1d5: {  	s23 =	simm.s32 @!p0 $0xB200  }
0x1d6: {  	[tilespmem:s23], [sflag:$0x6] =	stream.indirect_vreg.gather @!p0 [hbm4b:s8+s19], $0x80, v3, vm1, $0xb8;
	[tilespmem:$0x10280] =	vst v63  }
0x1d7: {  	s23 =	simm.s32 @!p0 $0xBA00  }
0x1d8: {  	[tilespmem:s23], [sflag:$0x6] =	stream.indirect_vreg.gather @!p0 [hbm4b:s9+s19], $0x80, v3, vm1, $0xb8;
	[tilespmem:$0x10280] =	vst v63  }
0x1d9: {  	s25 =	simm.s32 $0x0;
	_ =	swait.ge [sflag:s22], $0x2000  }
0x1da: {  	s28 =	sand.u32 $0x1C00, s25;
	s19 =	sand.u32 $0x380, s25;
	[sflag:s22] =	ssyncset.done $0x0  }
0x1db: {  	s29 =	sor.u32 s19, s28;
	[sflag:s22] =	ssyncadd.s32 $0xFFFFE000  }
0x1dc: {  	v3 =	vld [tilespmem:s29+$0xC270]  }
0x1dd: {  	v4 =	vld [tilespmem:s29+$0xC200]  }
0x1de: {  	v5 =	vld [tilespmem:s29+$0xC210]  }
0x1df: {  	v10 =	vld [tilespmem:s29+$0xC250]  }
0x1e0: {  	v6 =	vld [tilespmem:s29+$0xC220]  }
0x1e1: {  	s25 =	simm.s32 $0x400;
	s28 =	simm.s32 $0x10;
	v8 =	vld [tilespmem:s29+$0xC230];
	v3 =	vmul.f32 v3, v2  }
0x1e2: {  	s19 =	sand.u32 $0x1C00, s25;
	s23 =	sand.u32 $0x380, s28;
	v9 =	vld [tilespmem:s29+$0xC240];
	v4 =	vmul.f32 v4, v2  }
0x1e3: {  	s25 =	sor.u32 s23, s19;
	v11 =	vld [tilespmem:s29+$0xC260];
	v5 =	vmul.f32 v5, v2;
	[tilespmem:s29+$0xC270] =	vst v3  }
0x1e4: {  	v12 =	vld [tilespmem:s25+$0xC270];
	v10 =	vmul.f32 v10, v2;
	[tilespmem:s29+$0xC200] =	vst v4  }
0x1e5: {  	v7 =	vld [tilespmem:s25+$0xC200];
	v3 =	vmul.f32 v6, v2;
	[tilespmem:s29+$0xC210] =	vst v5  }
0x1e6: {  	v4 =	vmul.f32 v8, v2;
	v6 =	vld [tilespmem:s25+$0xC210];
	[tilespmem:s29+$0xC250] =	vst v10  }
0x1e7: {  	v5 =	vmul.f32 v9, v2;
	[tilespmem:s29+$0xC220] =	vst v3;
	v3 =	vld [tilespmem:s25+$0xC220]  }
0x1e8: {  	v9 =	vmul.f32 v11, v2;
	[tilespmem:s29+$0xC230] =	vst v4;
	v4 =	vld [tilespmem:s25+$0xC230]  }
0x1e9: {  	s30 =	simm.s32 $0x8;
	s31 =	simm.s32 $0x800;
	s19 =	simm.s32 $0x20;
	v8 =	vmul.f32 v12, v2;
	[tilespmem:s29+$0xC240] =	vst v5;
	v5 =	vld [tilespmem:s25+$0xC240]  }
.LBB2_15:
0x1ea: {  	s23 =	sand.u32 $0x1C00, s31;
	s28 =	sand.u32 $0x380, s19;
	s30 =	sadd.s32 $0x8, s30;
	v7 =	vmul.f32 v7, v2;
	v10 =	vld [tilespmem:s25+$0xC250];
	[tilespmem:s29+$0xC260] =	vst v9  }
0x1eb: {  	s29 =	smov.u32 s25;
	p0 =	slt.u32 s30, $0x1F8;
	v6 =	vmul.f32 v6, v2;
	v9 =	vld [tilespmem:s25+$0xC260];
	[tilespmem:s25+$0xC270] =	vst v8;
	s25 =	sor.u32 s28, s23  }
0x1ec: {  	v8 =	vld [tilespmem:s25+$0xC270];
	[tilespmem:s29+$0xC200] =	vst v7;
	v3 =	vmul.f32 v3, v2  }
.Ltmp6:
0x1ed: {  	v7 =	vld [tilespmem:s25+$0xC200];
	[tilespmem:s29+$0xC210] =	vst v6;
	v4 =	vmul.f32 v4, v2;
	(pc) =	sbr.rel @p0 .LBB2_15-.Ltmp6, $4  }
0x1ee: {  	v6 =	vld [tilespmem:s25+$0xC210];
	[tilespmem:s29+$0xC220] =	vst v3;
	v5 =	vmul.f32 v5, v2  }
0x1ef: {  	v3 =	vld [tilespmem:s25+$0xC220];
	[tilespmem:s29+$0xC230] =	vst v4;
	v10 =	vmul.f32 v10, v2  }
0x1f0: {  	v4 =	vld [tilespmem:s25+$0xC230];
	[tilespmem:s29+$0xC240] =	vst v5;
	v9 =	vmul.f32 v9, v2  }
0x1f1: {  	s31 =	sadd.s32 $0x400, s31;
	s19 =	sadd.s32 $0x10, s19;
	v5 =	vld [tilespmem:s25+$0xC240];
	v8 =	vmul.f32 v8, v2;
	[tilespmem:s29+$0xC250] =	vst v10  }
0x1f2: {  	v7 =	vmul.f32 v7, v2;
	v10 =	vld [tilespmem:s25+$0xC250];
	[tilespmem:s29+$0xC260] =	vst v9  }
0x1f3: {  	v9 =	vld [tilespmem:s25+$0xC260];
	v6 =	vmul.f32 v6, v2;
	[tilespmem:s25+$0xC270] =	vst v8  }
0x1f4: {  	[tilespmem:s25+$0xC200] =	vst v7;
	v3 =	vmul.f32 v3, v2  }
0x1f5: {  	[tilespmem:s25+$0xC210] =	vst v6;
	v4 =	vmul.f32 v4, v2  }
0x1f6: {  	[tilespmem:s25+$0xC220] =	vst v3;
	v3 =	vmul.f32 v5, v2  }
0x1f7: {  	s13 =	sshll.u32 s13, $0xD;
	[tilespmem:s25+$0xC230] =	vst v4;
	v4 =	vmul.f32 v10, v2  }
0x1f8: {  	s13 =	sadd.s32 s10, s13;
	[tilespmem:s25+$0xC240] =	vst v3;
	v3 =	vmul.f32 v9, v2  }
0x1f9: {  	s6 =	sor.u32 $0x7, s6;
	s13 =	sshrl.u32 s13, $0x3;
	[tilespmem:s25+$0xC250] =	vst v4  }
0x1fa: {  	p0 =	sgt.u32 s6, $0x38;
	s13 =	sadd.s32 s2, s13;
	[tilespmem:s25+$0xC260] =	vst v3  }
0x1fb: {  	[hbm4b:s13+s4] =	stream.linear.scatter [tilespmem:s21], [sflag:$0xF], $0x2000, $0x38;
	[tilespmem:$0x10280] =	vst v63  }
0x1fc: {  	s13 =	simm.s32 @!p0 $0xF  }
0x1fd: {  	_ =	swait.ge @!p0 [sflag:s13], $0x2000  }
0x1fe: {  	[sflag:s13] =	ssyncset.done @!p0 $0x0  }
0x1ff: {  	[sflag:s13] =	ssyncadd.s32 @!p0 $0xFFFFE000  }
0x200: {  	v3 =	vld.msk @!p0 [tilespmem:s11+$0x70], $0xff;
	_ =	sdelay $0x4  }
0x201: {  	v4 =	vshll.u32 @!p0 v3, $0x3  }
0x202: {  	v5 =	vlaneseq.u32 @!p0;
	v3 =	vand.u32 @!p0 $0x7, v3;
	v4 =	vand.u32 @!p0 $0xFFFFFFC0, v4  }
0x203: {  	v3 =	vor.u32 @!p0 v3, v4;
	v4 =	vand.u32 @!p0 $0x7, v5;
	v5 =	vshrl.u32 @!p0 v5, $0x3  }
0x204: {  	v3 =	vperm.xlane @!p0 v3, v4;
	v4 =	vmul.u32 @!p0 $0x8, v5;
	_ =	sdelay $0x1  }
0x205: {  	v3 =	vadd.s32 @!p0 v4, v3;
	_ =	sdelay $0x3  }
0x206: {  	vm1 =	vmmov @!p0 $0xffff;
	s13 =	simm.s32 @!p0 $0xC200;
	s11 =	simm.s32 @!p0 $0x0  }
0x207: {  	[tilespmem:s13], [sflag:$0x7] =	stream.indirect_vreg.gather @!p0 [hbm4b:s1+s11], $0x80, v3, vm1, $0xb8;
	[tilespmem:$0x10280] =	vst v63  }
0x208: {  	s13 =	simm.s32 @!p0 $0xCA00  }
0x209: {  	[tilespmem:s13], [sflag:$0x7] =	stream.indirect_vreg.gather @!p0 [hbm4b:s7+s11], $0x80, v3, vm1, $0xb8;
	[tilespmem:$0x10280] =	vst v63  }
0x20a: {  	s13 =	simm.s32 @!p0 $0xD200  }
0x20b: {  	[tilespmem:s13], [sflag:$0x7] =	stream.indirect_vreg.gather @!p0 [hbm4b:s8+s11], $0x80, v3, vm1, $0xb8;
	[tilespmem:$0x10280] =	vst v63  }
0x20c: {  	s13 =	simm.s32 @!p0 $0xDA00  }
0x20d: {  	[tilespmem:s13], [sflag:$0x7] =	stream.indirect_vreg.gather @!p0 [hbm4b:s9+s11], $0x80, v3, vm1, $0xb8;
	[tilespmem:$0x10280] =	vst v63  }
0x20e: {  	s28 =	simm.s32 $0x0;
	_ =	swait.ge [sflag:s24], $0x2000  }
0x20f: {  	s30 =	sand.u32 $0x1C00, s28;
	s11 =	sand.u32 $0x380, s28;
	[sflag:s24] =	ssyncset.done $0x0  }
0x210: {  	s13 =	sor.u32 s11, s30;
	[sflag:s24] =	ssyncadd.s32 $0xFFFFE000  }
0x211: {  	v3 =	vld [tilespmem:s13+$0xE270]  }
0x212: {  	v4 =	vld [tilespmem:s13+$0xE200]  }
0x213: {  	v5 =	vld [tilespmem:s13+$0xE210]  }
0x214: {  	v10 =	vld [tilespmem:s13+$0xE250]  }
0x215: {  	v6 =	vld [tilespmem:s13+$0xE220]  }
0x216: {  	s31 =	simm.s32 $0x400;
	s19 =	simm.s32 $0x10;
	v8 =	vld [tilespmem:s13+$0xE230];
	v3 =	vmul.f32 v3, v2  }
0x217: {  	s19 =	sand.u32 $0x380, s19;
	s11 =	sand.u32 $0x1C00, s31;
	v9 =	vld [tilespmem:s13+$0xE240];
	v4 =	vmul.f32 v4, v2  }
0x218: {  	s11 =	sor.u32 s19, s11;
	v11 =	vld [tilespmem:s13+$0xE260];
	v5 =	vmul.f32 v5, v2;
	[tilespmem:s13+$0xE270] =	vst v3  }
0x219: {  	v12 =	vld [tilespmem:s11+$0xE270];
	v10 =	vmul.f32 v10, v2;
	[tilespmem:s13+$0xE200] =	vst v4  }
0x21a: {  	v7 =	vld [tilespmem:s11+$0xE200];
	v3 =	vmul.f32 v6, v2;
	[tilespmem:s13+$0xE210] =	vst v5  }
0x21b: {  	v4 =	vmul.f32 v8, v2;
	v6 =	vld [tilespmem:s11+$0xE210];
	[tilespmem:s13+$0xE250] =	vst v10  }
0x21c: {  	v5 =	vmul.f32 v9, v2;
	[tilespmem:s13+$0xE220] =	vst v3;
	v3 =	vld [tilespmem:s11+$0xE220]  }
0x21d: {  	v9 =	vmul.f32 v11, v2;
	[tilespmem:s13+$0xE230] =	vst v4;
	v4 =	vld [tilespmem:s11+$0xE230]  }
0x21e: {  	s29 =	simm.s32 $0x800;
	s25 =	simm.s32 $0x8;
	s19 =	simm.s32 $0x20;
	v8 =	vmul.f32 v12, v2;
	[tilespmem:s13+$0xE240] =	vst v5;
	v5 =	vld [tilespmem:s11+$0xE240]  }
.LBB2_17:
0x21f: {  	s23 =	sand.u32 $0x1C00, s29;
	s28 =	sand.u32 $0x380, s19;
	s25 =	sadd.s32 $0x8, s25;
	v7 =	vmul.f32 v7, v2;
	v10 =	vld [tilespmem:s11+$0xE250];
	[tilespmem:s13+$0xE260] =	vst v9  }
0x220: {  	s13 =	smov.u32 s11;
	p0 =	slt.u32 s25, $0x1F8;
	v6 =	vmul.f32 v6, v2;
	v9 =	vld [tilespmem:s11+$0xE260];
	[tilespmem:s11+$0xE270] =	vst v8;
	s11 =	sor.u32 s28, s23  }
0x221: {  	v8 =	vld [tilespmem:s11+$0xE270];
	[tilespmem:s13+$0xE200] =	vst v7;
	v3 =	vmul.f32 v3, v2  }
.Ltmp7:
0x222: {  	v7 =	vld [tilespmem:s11+$0xE200];
	[tilespmem:s13+$0xE210] =	vst v6;
	v4 =	vmul.f32 v4, v2;
	(pc) =	sbr.rel @p0 .LBB2_17-.Ltmp7, $4  }
0x223: {  	v6 =	vld [tilespmem:s11+$0xE210];
	[tilespmem:s13+$0xE220] =	vst v3;
	v5 =	vmul.f32 v5, v2  }
0x224: {  	v3 =	vld [tilespmem:s11+$0xE220];
	[tilespmem:s13+$0xE230] =	vst v4;
	v10 =	vmul.f32 v10, v2  }
0x225: {  	v4 =	vld [tilespmem:s11+$0xE230];
	[tilespmem:s13+$0xE240] =	vst v5;
	v9 =	vmul.f32 v9, v2  }
0x226: {  	s29 =	sadd.s32 $0x400, s29;
	s19 =	sadd.s32 $0x10, s19;
	v5 =	vld [tilespmem:s11+$0xE240];
	v8 =	vmul.f32 v8, v2;
	[tilespmem:s13+$0xE250] =	vst v10  }
0x227: {  	v7 =	vmul.f32 v7, v2;
	v10 =	vld [tilespmem:s11+$0xE250];
	[tilespmem:s13+$0xE260] =	vst v9  }
0x228: {  	v62 =	vld [tilespmem:s11+$0xE260];
	v6 =	vmul.f32 v6, v2;
	[tilespmem:s11+$0xE270] =	vst v8  }
0x229: {  	[tilespmem:s11+$0xE200] =	vst v7;
	v3 =	vmul.f32 v3, v2  }
0x22a: {  	s5 =	sadd.s32 $0x1, s5;
	[tilespmem:s11+$0xE210] =	vst v6;
	v4 =	vmul.f32 v4, v2  }
0x22b: {  	p0 =	sne.s32 s5, $0x8;
	[tilespmem:s11+$0xE220] =	vst v3;
	v3 =	vmul.f32 v5, v2  }
.Ltmp8:
0x22c: {  	s6 =	sshll.u32 s6, $0xD;
	[tilespmem:s11+$0xE230] =	vst v4;
	v63 =	vmul.f32 v10, v2;
	(pc) =	sbr.rel @p0 .LBB2_2-.Ltmp8, $4  }
0x22d: {  	s6 =	sadd.s32 s10, s6;
	[tilespmem:s11+$0xE240] =	vst v3;
	v3 =	vmul.f32 v62, v2  }
0x22e: {  	s6 =	sshrl.u32 s6, $0x3;
	[tilespmem:s11+$0xE250] =	vst v63  }
0x22f: {  	s6 =	sadd.s32 s2, s6;
	[tilespmem:s11+$0xE260] =	vst v3  }
0x230: {  	[hbm4b:s6+s4] =	stream.linear.scatter [tilespmem:s26], [sflag:$0x10], $0x2000, $0x38;
	[tilespmem:$0x10280] =	vst v63  }
0x231: {  	s5 =	simm.s32 $0x9  }
0x232: {  	_ =	swait.ge [sflag:s5], $0x2000  }
0x233: {  	[sflag:s5] =	ssyncset.done $0x0  }
0x234: {  	s19 =	simm.s32 $0xA;
	[sflag:s5] =	ssyncadd.s32 $0xFFFFE000  }
0x235: {  	_ =	swait.ge [sflag:s19], $0x2000  }
0x236: {  	[sflag:s19] =	ssyncset.done $0x0  }
0x237: {  	s23 =	simm.s32 $0xB;
	[sflag:s19] =	ssyncadd.s32 $0xFFFFE000  }
0x238: {  	_ =	swait.ge [sflag:s23], $0x2000  }
0x239: {  	[sflag:s23] =	ssyncset.done $0x0  }
0x23a: {  	s25 =	simm.s32 $0xC;
	[sflag:s23] =	ssyncadd.s32 $0xFFFFE000  }
0x23b: {  	_ =	swait.ge [sflag:s25], $0x2000  }
0x23c: {  	[sflag:s25] =	ssyncset.done $0x0  }
0x23d: {  	s28 =	simm.s32 $0xD;
	[sflag:s25] =	ssyncadd.s32 $0xFFFFE000  }
0x23e: {  	_ =	swait.ge [sflag:s28], $0x2000  }
0x23f: {  	[sflag:s28] =	ssyncset.done $0x0  }
0x240: {  	s29 =	simm.s32 $0xE;
	[sflag:s28] =	ssyncadd.s32 $0xFFFFE000  }
0x241: {  	_ =	swait.ge [sflag:s29], $0x2000  }
0x242: {  	[sflag:s29] =	ssyncset.done $0x0  }
0x243: {  	s30 =	simm.s32 $0xF;
	[sflag:s29] =	ssyncadd.s32 $0xFFFFE000  }
0x244: {  	_ =	swait.ge [sflag:s30], $0x2000  }
0x245: {  	[sflag:s30] =	ssyncset.done $0x0  }
0x246: {  	s6 =	simm.s32 $0x10;
	[sflag:s30] =	ssyncadd.s32 $0xFFFFE000  }
0x247: {  	_ =	swait.ge [sflag:s6], $0x2000  }
0x248: {  	s11 =	rddreg [dreg:$0x8]  }
0x249: {  	s31 =	rddreg [dreg:$0x7];
	s11 =	sadd.s32 $0x1, s11  }
0x24a: {  	p0 =	sne.s32 s11, s31  }
.Ltmp9:
0x24b: {  	_ = 	snop;
	(pc) =	sbr.rel @p0 .LBB2_1-.Ltmp9, $3  }
0x24c: {  	_ =	sdelay $0x1  }
0x24d: {  	[sflag:s6] =	ssyncset.done $0x0  }
0x24e: {  	[sflag:s6] =	ssyncadd.s32 $0xFFFFE000  }
0x24f: {  	_ =	sfence.sel $0x180000  }
0x250: {  	[bflag:$0x0] =	sbarrier.arrive $0xFFFF  }
0x251: {  	_ =	strace $0x90000047  }
0x252: {  	s0 =	stileid.u32;
	[bflag:$0x2] =	sbarrier.arrive $0xFFFF  }
0x253: {  	p0 =	sne.s32 s0, $0x0;
	s0 =	rddreg [dreg:$0x4]  }
0x254: {  	s0 =	sadd.s32 @!p0 $0x100000, s0  }
0x255: {  	[sflag:s0] =	ssyncadd.tile.s32 @!p0 $0x1;
	_ =	shalt  }
.Lfunc_end2:
_tile_overlayer_lowered:
.L_overlay_start_2:
0x256: {  	(tag) =	ssettag $0x2  }
0x257: {  	s0 =	rddreg [dreg:$0x0];
	s2 =	stileid.u32  }
0x258: {  	s1 =	rddreg [dreg:$0x1];
	p0 =	sne.s32 s2, $0x0  }
0x259: {  	s3 =	rddreg [dreg:$0x2];
	[bflag:$0x3] =	sbarrier.arrive $0xFFFF;
	s2 =	simm.s32 @!p0 $0x1C11  }
0x25a: {  	[timem:s3], [sflag:s2] =	dma.local @!p0 [hbm:s0], s1  }
0x25b: {  	s0 =	simm.s32 @!p0 $0x11  }
0x25c: {  	_ =	swait.ge @!p0 [sflag:s0], s1  }
0x25d: {  	s1 =	ssub.s32 @!p0 $0x0, s1;
	[sflag:s0] =	ssyncset.done @!p0 $0x0  }
0x25e: {  	[sflag:s0] =	ssyncadd.s32 @!p0 s1  }
0x25f: {  	[bflag:$0x3] =	sbarrier.arrive $0xFFFF  }
0x260: {  	_ =	shalt  }

</sc_bundles>
